<compile_context>
chip_gen: v7x
topology: tpu7x:2x2x1
jax: 0.10.2.dev20260603
libtpu: 0.0.44.dev20260713+nightly
codegen_flags: <defaults>
</compile_context>

<pallas_src>
import functools

import jax
import jax.numpy as jnp
from jax import lax
from jax.experimental import pallas as pl
from jax.experimental.pallas import tpu as pltpu
from jax.experimental.pallas import tpu_sc as plsc

_EPS = 1e-6

_NC = 2
_NS = 16
_NW = _NC * _NS


def _leaky(t):
    return jnp.where(t >= 0, t, 0.01 * t)


def _sigmoid(t):
    return 1.0 / (1.0 + jnp.exp(-t))


def _norm_fields(s1, s2, c3, alpha):
    cnt = jnp.maximum(c3, 1.0)
    mean = s1 / cnt
    meansq = s2 / cnt
    var = meansq - (2.0 * alpha - alpha * alpha) * mean * mean
    rstd = lax.rsqrt(var + _EPS)
    return mean, rstd


def _pre_body(G, NB, x_ref, gidr_ref, gidc_ref, y_ref,
              g1_ref, b1_ref, a1_ref, ws_ref, bs_ref, wt_ref, bt_ref,
              g2_ref, b2_ref, a2_ref,
              xmid_ref, x2b_ref, t1_ref, c3_ref,
              xmid_s, s1_s, s2_s, c3_s, t1_s, t2_s):
    i = pl.program_id(0)
    p = i // NB
    k = i % NB
    B = x_ref.shape[0]
    D = x_ref.shape[1]

    @pl.when(p == 0)
    def _():
        x = x_ref[...]
        gid = gidr_ref[0]
        m = (lax.broadcasted_iota(jnp.int32, (G, B), 0) == gid
             ).astype(jnp.float32)

        @pl.when(k == 0)
        def _():
            s1_s[...] = jnp.zeros_like(s1_s)
            s2_s[...] = jnp.zeros_like(s2_s)
            c3_s[...] = jnp.zeros_like(c3_s)

        s1_s[...] += jnp.dot(m, x)
        s2_s[...] += jnp.dot(m, x * x)
        c3_s[...] += jnp.dot(m, jnp.ones_like(x))

    @pl.when(p == 1)
    def _():
        x = x_ref[...]
        a1 = a1_ref[...]
        mean, rstd = _norm_fields(s1_s[...], s2_s[...], c3_s[...], a1)
        tbl = jnp.concatenate([mean, rstd, y_ref[...]], axis=1)
        gidc = gidc_ref[0]
        mt = (gidc == lax.broadcasted_iota(jnp.int32, (B, G), 1)
              ).astype(jnp.float32)
        nv = jnp.dot(mt, tbl)
        mean_n = nv[:, :D]
        rstd_n = nv[:, D:2 * D]
        yn = nv[:, 2 * D:]
        x2 = g1_ref[...] * (x - a1 * mean_n) * rstd_n + b1_ref[...]
        xs = _leaky(jnp.dot(x2, ws_ref[...]) + bs_ref[...])
        xt = _leaky(jnp.dot(yn, wt_ref[...]) + bt_ref[...])
        z = _sigmoid(xs + xt)
        xmid = x + z * x2 + (1.0 - z) * yn
        xmid_s[k] = xmid

        gid = gidr_ref[0]
        m = (lax.broadcasted_iota(jnp.int32, (G, B), 0) == gid
             ).astype(jnp.float32)

        @pl.when(k == 0)
        def _():
            t1_s[...] = jnp.zeros_like(t1_s)
            t2_s[...] = jnp.zeros_like(t2_s)

        t1_s[...] += jnp.dot(m, xmid)
        t2_s[...] += jnp.dot(m, xmid * xmid)

    @pl.when(p == 2)
    def _():
        xm = xmid_s[k]
        a2 = a2_ref[...]
        mean, rstd = _norm_fields(t1_s[...], t2_s[...], c3_s[...], a2)
        tbl = jnp.concatenate([mean, rstd], axis=1)
        gidc = gidc_ref[0]
        mt = (gidc == lax.broadcasted_iota(jnp.int32, (B, G), 1)
              ).astype(jnp.float32)
        nv = jnp.dot(mt, tbl)
        xmid_ref[...] = xm
        x2b_ref[...] = (g2_ref[...] * (xm - a2 * nv[:, :D]) * nv[:, D:]
                        + b2_ref[...])

    @pl.when(i == 3 * NB - 1)
    def _():
        t1_ref[...] = t1_s[...]
        c3_ref[...] = c3_s[...]


def _pre_call(x, gid_row3, gid_col3, y_flat, g1, b1, a1, ws, bs, wt, bt,
              g2, b2, a2, G, B, NB, D):
    constg = pl.BlockSpec((G, D), lambda i: (0, 0))
    prm = pl.BlockSpec((1, D), lambda i: (0, 0))
    wspec = pl.BlockSpec((D, D), lambda i: (0, 0))
    return pl.pallas_call(
        functools.partial(_pre_body, G, NB),
        grid=(3 * NB,),
        in_specs=[
            pl.BlockSpec((B, D), lambda i: (i % NB, 0)),
            pl.BlockSpec((1, 1, B), lambda i: (i % NB, 0, 0)),
            pl.BlockSpec((1, B, 1), lambda i: (i % NB, 0, 0)),
            constg,
            prm, prm, prm, wspec, prm, wspec, prm, prm, prm, prm,
        ],
        out_specs=[
            pl.BlockSpec((B, D), lambda i: (jnp.maximum(i - 2 * NB, 0), 0)),
            pl.BlockSpec((B, D), lambda i: (jnp.maximum(i - 2 * NB, 0), 0)),
            constg, constg,
        ],
        out_shape=[
            jax.ShapeDtypeStruct((NB * B, D), jnp.float32),
            jax.ShapeDtypeStruct((NB * B, D), jnp.float32),
            jax.ShapeDtypeStruct((G, D), jnp.float32),
            jax.ShapeDtypeStruct((G, D), jnp.float32),
        ],
        scratch_shapes=[
            pltpu.VMEM((NB, B, D), jnp.float32),
            pltpu.VMEM((G, D), jnp.float32),
            pltpu.VMEM((G, D), jnp.float32),
            pltpu.VMEM((G, D), jnp.float32),
            pltpu.VMEM((G, D), jnp.float32),
            pltpu.VMEM((G, D), jnp.float32),
        ],
    )(x, gid_row3, gid_col3, y_flat, g1, b1, a1, ws, bs, wt, bt, g2, b2, a2)


def _edge_agg(x2b, ei5, zeros, N, D, SR, NSR, K):
    ZR = (N // _NS) // 8 * 8
    TAIL = N - _NS * ZR
    NP = N + 8

    mesh = plsc.VectorSubcoreMesh(core_axis_name="c", subcore_axis_name="s")

    @functools.partial(
        pl.kernel,
        out_type=jax.ShapeDtypeStruct((_NC, N, D), jnp.float32),
        mesh=mesh,
        scratch_types=[
            pltpu.VMEM((SR, K), jnp.int32),
            pltpu.VMEM((SR, K), jnp.int32),
            pltpu.VMEM((K, D), jnp.float32),
            pltpu.VMEM((K, D), jnp.float32),
            pltpu.VMEM_SHARED((NP, D), jnp.float32),
            pltpu.SemaphoreType.DMA,
            pltpu.SemaphoreType.DMA,
            pltpu.SemaphoreType.DMA,
            pltpu.SemaphoreType.DMA,
        ],
    )
    def sc_kernel(x2_hbm, ei_hbm, zero_hbm, out_hbm,
                  src_v, dst_v, rows0_v, rows1_v, acc,
                  gsem0, gsem1, ssem0, ssem1):
        c = lax.axis_index("c")
        s = lax.axis_index("s")
        wid = s * _NC + c

        pltpu.sync_copy(zero_hbm.at[pl.ds(s * ZR, ZR)], acc.at[pl.ds(s * ZR, ZR)])

        @pl.when(s == _NS - 1)
        def _():
            pltpu.sync_copy(zero_hbm.at[pl.ds(_NS * ZR, TAIL)],
                            acc.at[pl.ds(_NS * ZR, TAIL)])

        plsc.subcore_barrier()

        def round_body(r, carry):
            pltpu.sync_copy(ei_hbm.at[0, wid, r], src_v)
            pltpu.sync_copy(ei_hbm.at[1, wid, r], dst_v)
            pltpu.async_copy(x2_hbm.at[src_v.at[0]], rows0_v, gsem0)

            def body(j, carry_in):
                b = lax.rem(j, 2)

                @pl.when(j + 1 < SR)
                def _():
                    @pl.when(b == 0)
                    def _():
                        @pl.when(j >= 1)
                        def _():
                            pltpu.make_async_copy(
                                rows1_v, acc.at[dst_v.at[j - 1]],
                                ssem1).wait()
                        pltpu.async_copy(x2_hbm.at[src_v.at[j + 1]],
                                         rows1_v, gsem1)

                    @pl.when(b == 1)
                    def _():
                        pltpu.make_async_copy(
                            rows0_v, acc.at[dst_v.at[j - 1]], ssem0).wait()
                        pltpu.async_copy(x2_hbm.at[src_v.at[j + 1]],
                                         rows0_v, gsem0)

                @pl.when(b == 0)
                def _():
                    pltpu.make_async_copy(x2_hbm.at[src_v.at[j]],
                                          rows0_v, gsem0).wait()
                    pltpu.async_copy(rows0_v, acc.at[dst_v.at[j]], ssem0,
                                     add=True)

                @pl.when(b == 1)
                def _():
                    pltpu.make_async_copy(x2_hbm.at[src_v.at[j]],
                                          rows1_v, gsem1).wait()
                    pltpu.async_copy(rows1_v, acc.at[dst_v.at[j]], ssem1,
                                     add=True)

                return carry_in

            lax.fori_loop(0, SR, body, carry)

            for jj in (SR - 2, SR - 1):
                if jj < 0:
                    continue
                if jj % 2 == 0:
                    pltpu.make_async_copy(rows0_v, acc.at[dst_v.at[jj]],
                                          ssem0).wait()
                else:
                    pltpu.make_async_copy(rows1_v, acc.at[dst_v.at[jj]],
                                          ssem1).wait()
            return carry

        lax.fori_loop(0, NSR, round_body, 0)
        plsc.subcore_barrier()

        pltpu.sync_copy(acc.at[pl.ds(s * ZR, ZR)],
                        out_hbm.at[c, pl.ds(s * ZR, ZR)])

        @pl.when(s == _NS - 1)
        def _():
            pltpu.sync_copy(acc.at[pl.ds(_NS * ZR, TAIL)],
                            out_hbm.at[c, pl.ds(_NS * ZR, TAIL)])

    return sc_kernel(x2b, ei5, zeros)


def _gin_body(G, NB, x2b_ref, agg0_ref, agg1_ref, xmid_ref, gidr_ref,
              wg_ref, bg_ref, smid_ref, c3_ref, xout_ref, x3_ref):
    i = pl.program_id(0)
    t = x2b_ref[...] + agg0_ref[0] + agg1_ref[0]
    B = t.shape[0]
    h = jnp.maximum(jnp.dot(t, wg_ref[...]) + bg_ref[...], 0.0)
    xout_ref[...] = xmid_ref[...] + h

    gid = gidr_ref[0]
    m = (lax.broadcasted_iota(jnp.int32, (G, B), 0) == gid).astype(jnp.float32)

    @pl.when(i == 0)
    def _():
        x3_ref[...] = jnp.zeros_like(x3_ref)

    x3_ref[...] += jnp.dot(m, h)

    @pl.when(i == NB - 1)
    def _():
        cnt = jnp.maximum(c3_ref[...], 1.0)
        x3_ref[...] = (x3_ref[...] + smid_ref[...]) / cnt


def _gin_call(x2b, parts, xmid, gid_row3, wg, bg, smid, c3, G, B, NB, D):
    const2 = pl.BlockSpec((G, D), lambda i: (0, 0))
    return pl.pallas_call(
        functools.partial(_gin_body, G, NB),
        grid=(NB,),
        in_specs=[
            pl.BlockSpec((B, D), lambda i: (i, 0)),
            pl.BlockSpec((1, B, D), lambda i: (0, i, 0)),
            pl.BlockSpec((1, B, D), lambda i: (1, i, 0)),
            pl.BlockSpec((B, D), lambda i: (i, 0)),
            pl.BlockSpec((1, 1, B), lambda i: (i, 0, 0)),
            pl.BlockSpec((D, D), lambda i: (0, 0)),
            pl.BlockSpec((1, D), lambda i: (0, 0)),
            const2, const2,
        ],
        out_specs=[
            pl.BlockSpec((B, D), lambda i: (i, 0)),
            pl.BlockSpec((G, D), lambda i: (0, 0)),
        ],
        out_shape=[
            jax.ShapeDtypeStruct((NB * B, D), jnp.float32),
            jax.ShapeDtypeStruct((G, D), jnp.float32),
        ],
    )(x2b, parts, parts, xmid, gid_row3, wg, bg, smid, c3)


def _pick_block(n, cap):
    best = 8
    for b in range(8, cap + 1, 8):
        if n % b == 0:
            best = b
    return best


def kernel(y, x, edge_index, graph_ids, gamma1, beta1, alpha1,
           gamma2, beta2, alpha2, WS, bS, WT, bT, W_gin, b_gin):
    N, D = x.shape
    BS, SRC, _ = y.shape
    G = BS * SRC
    E = edge_index.shape[1]

    B = _pick_block(N, 2048)
    NB = N // B

    EPW = E // _NW
    K = _pick_block(EPW, 80)
    if K < 40:
        K = 80
    NCH = -(-E // (_NW * K))
    SR = 1
    for cand in range(1, NCH + 1):
        if NCH % cand == 0 and cand * K <= 2048:
            SR = cand
    NSR = NCH // SR
    E_pad = _NW * NCH * K

    y_flat = y.reshape(G, D)
    gid_row3 = graph_ids.reshape(NB, 1, B)
    gid_col3 = graph_ids.reshape(NB, B, 1)
    p = lambda v: v.reshape(1, D)

    xmid, x2b, t1, c3 = _pre_call(x, gid_row3, gid_col3, y_flat,
                                  p(gamma1), p(beta1), p(alpha1),
                                  WS, p(bS), WT, p(bT),
                                  p(gamma2), p(beta2), p(alpha2),
                                  G, B, NB, D)

    if E_pad != E:
        padn = E_pad - E
        srcp = jnp.concatenate([edge_index[0], jnp.zeros((padn,), jnp.int32)])
        dstp = jnp.concatenate([edge_index[1],
                                jnp.full((padn,), N, jnp.int32)])
        ei = jnp.stack([srcp, dstp])
    else:
        ei = edge_index
    ei5 = ei.reshape(2, _NW, NSR, SR, K)
    zeros = jnp.zeros_like(x2b)
    parts = _edge_agg(x2b, ei5, zeros, N, D, SR, NSR, K)

    xout, x3 = _gin_call(x2b, parts, xmid, gid_row3, W_gin, p(b_gin),
                         t1, c3, G, B, NB, D)
    return x3.reshape(BS, SRC, D), xout

# --- scband reference (transcript-rebuilt; emitter-appended) ---
"""Pipeline reference for scband-graph-refinement-layer-9174050144729 (READ-ONLY COPY).

The authoritative reference and input builder live on the scoring server;
editing this copy changes nothing except your own understanding.
"""

import jax, jax.numpy as jnp
import numpy as np

D = 128
N = 10000
E = 320000
BS = 8
SRC = 25
G = BS * SRC


def setup_inputs(seed: int = 0) -> dict:
    key = jax.random.key(seed)
    ks = jax.random.split(key, 16)
    inp = {}
    inp["y"] = jax.random.normal(ks[0], (BS, SRC, D), dtype=jnp.float32)
    inp["x"] = jax.random.normal(ks[1], (N, D), dtype=jnp.float32)
    inp["edge_index"] = jax.random.randint(ks[2], (2, E), 0, N, dtype=jnp.int32)
    inp["graph_ids"] = jnp.sort(jax.random.randint(ks[3], (N,), 0, G, dtype=jnp.int32))
    s = 1.0 / np.sqrt(D)
    # GraphNorm 1 and 2 params
    inp["gamma1"] = jnp.ones((D,), dtype=jnp.float32)
    inp["beta1"] = jnp.zeros((D,), dtype=jnp.float32)
    inp["alpha1"] = jnp.ones((D,), dtype=jnp.float32)
    inp["gamma2"] = jnp.ones((D,), dtype=jnp.float32)
    inp["beta2"] = jnp.zeros((D,), dtype=jnp.float32)
    inp["alpha2"] = jnp.ones((D,), dtype=jnp.float32)
    # GatedFusion params
    inp["WS"] = jax.random.normal(ks[4], (D, D), dtype=jnp.float32) * s
    inp["bS"] = jnp.zeros((D,), dtype=jnp.float32)
    inp["WT"] = jax.random.normal(ks[5], (D, D), dtype=jnp.float32) * s
    inp["bT"] = jnp.zeros((D,), dtype=jnp.float32)
    # GIN (FeedForwardGNN, num_layers=1) params
    inp["W_gin"] = jax.random.normal(ks[6], (D, D), dtype=jnp.float32) * s
    inp["b_gin"] = jnp.zeros((D,), dtype=jnp.float32)
    return inp


def _graph_norm(x, graph_ids, gamma, beta, alpha, counts):
    mean = jax.ops.segment_sum(x, graph_ids, num_segments=G) / counts[:, None]
    sub = x - alpha[None, :] * jnp.take(mean, graph_ids, axis=0)
    var = jax.ops.segment_sum(sub * sub, graph_ids, num_segments=G) / counts[:, None]
    std = jnp.sqrt(var + 1e-6)
    return gamma[None, :] * sub / jnp.take(std, graph_ids, axis=0) + beta[None, :]


def reference(y, x, edge_index, graph_ids, gamma1, beta1, alpha1, gamma2, beta2, alpha2, WS, bS, WT, bT, W_gin, b_gin):
    # y: [bs, src_len, d] -> flatten to one vector per subgraph, broadcast to nodes
    y_flat = y.reshape(-1, D)
    y_nodes = jnp.take(y_flat, graph_ids, axis=0)  # dgl.broadcast_nodes
    ones = jnp.ones((x.shape[0],), dtype=x.dtype)
    counts = jnp.maximum(jax.ops.segment_sum(ones, graph_ids, num_segments=G), 1.0)
    # norm_1 + GatedFusion residual (dropout = identity at eval)
    x2 = _graph_norm(x, graph_ids, gamma1, beta1, alpha1, counts)
    XS = jax.nn.leaky_relu(x2 @ WS + bS[None, :])
    XT = jax.nn.leaky_relu(y_nodes @ WT + bT[None, :])
    z = jax.nn.sigmoid(XS + XT)
    H = z * x2 + (1.0 - z) * y_nodes
    x = x + H
    # norm_2 + GIN message passing residual
    x2 = _graph_norm(x, graph_ids, gamma2, beta2, alpha2, counts)
    src = edge_index[0]
    dst = edge_index[1]
    agg = jnp.zeros_like(x2).at[dst].add(jnp.take(x2, src, axis=0))
    h = jax.nn.relu((x2 + agg) @ W_gin + b_gin[None, :])
    x = x + h
    # dgl.mean_nodes readout
    x3 = (jax.ops.segment_sum(x, graph_ids, num_segments=G) / counts[:, None]).reshape(BS, SRC, D)
    return (x3, x)

if __name__ == "__main__":
    import jax
    _d = setup_inputs()
    print(jax.jit(kernel)(*tuple(_d.values())))

</pallas_src>

<mosaic_0001>
#map = affine_map<(d0, d1) -> (0, 0)>
#map1 = affine_map<(d0, d1) -> (0, 0, 0, 0, 0)>
#map2 = affine_map<(d0, d1) -> (0, 0, 0)>
module attributes {stable_mosaic.version = 14 : i64} {
  func.func @sc_kernel(%arg0: i32, %arg1: i32, %arg2: memref<10000x128xf32, #tpu.memory_space<hbm>>, %arg3: memref<2x32x5x25x80xi32, #tpu.memory_space<hbm>>, %arg4: memref<10000x128xf32, #tpu.memory_space<hbm>>, %arg5: memref<2x10000x128xf32, #tpu.memory_space<hbm>>, %arg6: memref<25x80xi32, #tpu.memory_space<vmem>>, %arg7: memref<25x80xi32, #tpu.memory_space<vmem>>, %arg8: memref<80x128xf32, #tpu.memory_space<vmem>>, %arg9: memref<80x128xf32, #tpu.memory_space<vmem>>, %arg10: memref<10008x128xf32, #tpu.memory_space<vmem_shared>>, %arg11: memref<!tpu.dma_semaphore, #tpu.memory_space<semaphore_mem>>, %arg12: memref<!tpu.dma_semaphore, #tpu.memory_space<semaphore_mem>>, %arg13: memref<!tpu.dma_semaphore, #tpu.memory_space<semaphore_mem>>, %arg14: memref<!tpu.dma_semaphore, #tpu.memory_space<semaphore_mem>>) attributes {dimension_semantics = [#tpu.dimension_semantics<core_parallel>, #tpu.dimension_semantics<subcore_parallel>], iteration_bounds = array<i64: 2, 16>, scalar_prefetch = 0 : i64, scratch_operands = 9 : i64, tpu.core_type = #tpu.core_type<sc_vector_subcore>, window_params = [{transform_indices = #map}, {transform_indices = #map1}, {transform_indices = #map}, {transform_indices = #map2}]} {
    %mul3A = arith.constant 2 : i32
    %mul3A_0 = arith.muli %arg1, %mul3A : i32
    %add3A = arith.addi %mul3A_0, %arg0 : i32
    %mul3A_1 = arith.constant 624 : i32
    %mul3A_2 = arith.muli %arg1, %mul3A_1 : i32
    %mul3A_3 = arith.constant 624 : i32
    %mul3A_4 = arith.muli %arg1, %mul3A_3 : i32
    "tpu.region"() ({
      %run_scoped3A = tpu.sem_alloc : memref<!tpu.dma_semaphore, #tpu.memory_space<semaphore_mem>>
      %dma_start3A = arith.constant 0 : i32
      %dma_start3A_22 = tpu.memref_slice %arg10[%mul3A_4, %dma_start3A] : memref<10008x128xf32, #tpu.memory_space<vmem_shared>> -> memref<624x128xf32, #tpu.memory_space<vmem_shared>>
      %dma_start3A_23 = arith.constant 0 : i32
      %dma_start3A_24 = tpu.memref_slice %arg4[%mul3A_2, %dma_start3A_23] : memref<10000x128xf32, #tpu.memory_space<hbm>> -> memref<624x128xf32, #tpu.memory_space<hbm>>
      tpu.enqueue_dma source(%dma_start3A_24 : memref<624x128xf32, #tpu.memory_space<hbm>>) target(%dma_start3A_22 : memref<624x128xf32, #tpu.memory_space<vmem_shared>>) target_semaphore(%run_scoped3A : memref<!tpu.dma_semaphore, #tpu.memory_space<semaphore_mem>>)
      %dma_wait3A = arith.constant 0 : i32
      %dma_wait3A_25 = tpu.memref_slice %arg10[%mul3A_4, %dma_wait3A] : memref<10008x128xf32, #tpu.memory_space<vmem_shared>> -> memref<624x128xf32, #tpu.memory_space<vmem_shared>>
      %dma_wait3A_26 = arith.constant 0 : i32
      %dma_wait3A_27 = tpu.memref_slice %arg4[%mul3A_2, %dma_wait3A_26] : memref<10000x128xf32, #tpu.memory_space<hbm>> -> memref<624x128xf32, #tpu.memory_space<hbm>>
      tpu.wait_dma2 semaphore(%run_scoped3A : memref<!tpu.dma_semaphore, #tpu.memory_space<semaphore_mem>>) src(%dma_wait3A_27 : memref<624x128xf32, #tpu.memory_space<hbm>>) dst(%dma_wait3A_25 : memref<624x128xf32, #tpu.memory_space<vmem_shared>>)
      tpu.yield
    }) : () -> ()
    %eq3A = arith.constant 15 : i32
    %eq3A_5 = arith.cmpi eq, %arg1, %eq3A : i32
    %convert_element_type3A = arith.extui %eq3A_5 : i1 to i32
    %cond3A = arith.constant 0 : i32
    %cond3A_6 = arith.cmpi ne, %convert_element_type3A, %cond3A : i32
    scf.if %cond3A_6 {
      "tpu.region"() ({
        %run_scoped3A = tpu.sem_alloc : memref<!tpu.dma_semaphore, #tpu.memory_space<semaphore_mem>>
        %dma_start3A = arith.constant 9984 : i32
        %dma_start3A_22 = arith.constant 0 : i32
        %dma_start3A_23 = tpu.memref_slice %arg10[%dma_start3A, %dma_start3A_22] : memref<10008x128xf32, #tpu.memory_space<vmem_shared>> -> memref<16x128xf32, #tpu.memory_space<vmem_shared>>
        %dma_start3A_24 = arith.constant 9984 : i32
        %dma_start3A_25 = arith.constant 0 : i32
        %dma_start3A_26 = tpu.memref_slice %arg4[%dma_start3A_24, %dma_start3A_25] : memref<10000x128xf32, #tpu.memory_space<hbm>> -> memref<16x128xf32, #tpu.memory_space<hbm>>
        tpu.enqueue_dma source(%dma_start3A_26 : memref<16x128xf32, #tpu.memory_space<hbm>>) target(%dma_start3A_23 : memref<16x128xf32, #tpu.memory_space<vmem_shared>>) target_semaphore(%run_scoped3A : memref<!tpu.dma_semaphore, #tpu.memory_space<semaphore_mem>>)
        %dma_wait3A = arith.constant 9984 : i32
        %dma_wait3A_27 = arith.constant 0 : i32
        %dma_wait3A_28 = tpu.memref_slice %arg10[%dma_wait3A, %dma_wait3A_27] : memref<10008x128xf32, #tpu.memory_space<vmem_shared>> -> memref<16x128xf32, #tpu.memory_space<vmem_shared>>
        %dma_wait3A_29 = arith.constant 9984 : i32
        %dma_wait3A_30 = arith.constant 0 : i32
        %dma_wait3A_31 = tpu.memref_slice %arg4[%dma_wait3A_29, %dma_wait3A_30] : memref<10000x128xf32, #tpu.memory_space<hbm>> -> memref<16x128xf32, #tpu.memory_space<hbm>>
        tpu.wait_dma2 semaphore(%run_scoped3A : memref<!tpu.dma_semaphore, #tpu.memory_space<semaphore_mem>>) src(%dma_wait3A_31 : memref<16x128xf32, #tpu.memory_space<hbm>>) dst(%dma_wait3A_28 : memref<16x128xf32, #tpu.memory_space<vmem_shared>>)
        tpu.yield
      }) : () -> ()
    } else {
    }
    %barrier3A = arith.constant 0 : index
    tpu.barrier barrier_id(%barrier3A)
    %scan3A = arith.constant 0 : i32
    %scan3A_7 = arith.constant 0 : i32
    %scan3A_8 = arith.constant 5 : i32
    %scan3A_9 = arith.addi %scan3A_7, %scan3A_8 : i32
    %scan3A_10 = arith.constant 1 : i32
    scf.for %scan3A_22 = %scan3A_7 to %scan3A_9 step %scan3A_10  : i32 {
      %run_scoped3A = arith.constant 0 : i32
      "tpu.region"() ({
        %run_scoped3A_48 = tpu.sem_alloc : memref<!tpu.dma_semaphore, #tpu.memory_space<semaphore_mem>>
        %dma_start3A_49 = arith.constant 0 : i32
        %dma_start3A_50 = arith.constant 0 : i32
        %dma_start3A_51 = tpu.memref_slice %arg3[%run_scoped3A, %add3A, %scan3A_22, %dma_start3A_49, %dma_start3A_50] : memref<2x32x5x25x80xi32, #tpu.memory_space<hbm>> -> memref<1x1x1x25x80xi32, #tpu.memory_space<hbm>>
        %dma_start3A_52 = tpu.memref_squeeze %dma_start3A_51 : memref<1x1x1x25x80xi32, #tpu.memory_space<hbm>> -> memref<25x80xi32, #tpu.memory_space<hbm>>
        %dma_start3A_53 = arith.constant 0 : i32
        %dma_start3A_54 = arith.constant 0 : i32
        %dma_start3A_55 = tpu.memref_slice %arg3[%run_scoped3A, %add3A, %scan3A_22, %dma_start3A_53, %dma_start3A_54] : memref<2x32x5x25x80xi32, #tpu.memory_space<hbm>> -> memref<1x1x1x25x80xi32, #tpu.memory_space<hbm>>
        %dma_start3A_56 = tpu.memref_squeeze %dma_start3A_55 : memref<1x1x1x25x80xi32, #tpu.memory_space<hbm>> -> memref<25x80xi32, #tpu.memory_space<hbm>>
        tpu.enqueue_dma source(%dma_start3A_56 : memref<25x80xi32, #tpu.memory_space<hbm>>) target(%arg6 : memref<25x80xi32, #tpu.memory_space<vmem>>) target_semaphore(%run_scoped3A_48 : memref<!tpu.dma_semaphore, #tpu.memory_space<semaphore_mem>>)
        %dma_wait3A_57 = arith.constant 0 : i32
        %dma_wait3A_58 = arith.constant 0 : i32
        %dma_wait3A_59 = tpu.memref_slice %arg3[%run_scoped3A, %add3A, %scan3A_22, %dma_wait3A_57, %dma_wait3A_58] : memref<2x32x5x25x80xi32, #tpu.memory_space<hbm>> -> memref<1x1x1x25x80xi32, #tpu.memory_space<hbm>>
        %dma_wait3A_60 = tpu.memref_squeeze %dma_wait3A_59 : memref<1x1x1x25x80xi32, #tpu.memory_space<hbm>> -> memref<25x80xi32, #tpu.memory_space<hbm>>
        %dma_wait3A_61 = arith.constant 0 : i32
        %dma_wait3A_62 = arith.constant 0 : i32
        %dma_wait3A_63 = tpu.memref_slice %arg3[%run_scoped3A, %add3A, %scan3A_22, %dma_wait3A_61, %dma_wait3A_62] : memref<2x32x5x25x80xi32, #tpu.memory_space<hbm>> -> memref<1x1x1x25x80xi32, #tpu.memory_space<hbm>>
        %dma_wait3A_64 = tpu.memref_squeeze %dma_wait3A_63 : memref<1x1x1x25x80xi32, #tpu.memory_space<hbm>> -> memref<25x80xi32, #tpu.memory_space<hbm>>
        tpu.wait_dma2 semaphore(%run_scoped3A_48 : memref<!tpu.dma_semaphore, #tpu.memory_space<semaphore_mem>>) src(%dma_wait3A_64 : memref<25x80xi32, #tpu.memory_space<hbm>>) dst(%arg6 : memref<25x80xi32, #tpu.memory_space<vmem>>)
        tpu.yield
      }) : () -> ()
      %run_scoped3A_23 = arith.constant 1 : i32
      "tpu.region"() ({
        %run_scoped3A_48 = tpu.sem_alloc : memref<!tpu.dma_semaphore, #tpu.memory_space<semaphore_mem>>
        %dma_start3A_49 = arith.constant 0 : i32
        %dma_start3A_50 = arith.constant 0 : i32
        %dma_start3A_51 = tpu.memref_slice %arg3[%run_scoped3A_23, %add3A, %scan3A_22, %dma_start3A_49, %dma_start3A_50] : memref<2x32x5x25x80xi32, #tpu.memory_space<hbm>> -> memref<1x1x1x25x80xi32, #tpu.memory_space<hbm>>
        %dma_start3A_52 = tpu.memref_squeeze %dma_start3A_51 : memref<1x1x1x25x80xi32, #tpu.memory_space<hbm>> -> memref<25x80xi32, #tpu.memory_space<hbm>>
        %dma_start3A_53 = arith.constant 0 : i32
        %dma_start3A_54 = arith.constant 0 : i32
        %dma_start3A_55 = tpu.memref_slice %arg3[%run_scoped3A_23, %add3A, %scan3A_22, %dma_start3A_53, %dma_start3A_54] : memref<2x32x5x25x80xi32, #tpu.memory_space<hbm>> -> memref<1x1x1x25x80xi32, #tpu.memory_space<hbm>>
        %dma_start3A_56 = tpu.memref_squeeze %dma_start3A_55 : memref<1x1x1x25x80xi32, #tpu.memory_space<hbm>> -> memref<25x80xi32, #tpu.memory_space<hbm>>
        tpu.enqueue_dma source(%dma_start3A_56 : memref<25x80xi32, #tpu.memory_space<hbm>>) target(%arg7 : memref<25x80xi32, #tpu.memory_space<vmem>>) target_semaphore(%run_scoped3A_48 : memref<!tpu.dma_semaphore, #tpu.memory_space<semaphore_mem>>)
        %dma_wait3A_57 = arith.constant 0 : i32
        %dma_wait3A_58 = arith.constant 0 : i32
        %dma_wait3A_59 = tpu.memref_slice %arg3[%run_scoped3A_23, %add3A, %scan3A_22, %dma_wait3A_57, %dma_wait3A_58] : memref<2x32x5x25x80xi32, #tpu.memory_space<hbm>> -> memref<1x1x1x25x80xi32, #tpu.memory_space<hbm>>
        %dma_wait3A_60 = tpu.memref_squeeze %dma_wait3A_59 : memref<1x1x1x25x80xi32, #tpu.memory_space<hbm>> -> memref<25x80xi32, #tpu.memory_space<hbm>>
        %dma_wait3A_61 = arith.constant 0 : i32
        %dma_wait3A_62 = arith.constant 0 : i32
        %dma_wait3A_63 = tpu.memref_slice %arg3[%run_scoped3A_23, %add3A, %scan3A_22, %dma_wait3A_61, %dma_wait3A_62] : memref<2x32x5x25x80xi32, #tpu.memory_space<hbm>> -> memref<1x1x1x25x80xi32, #tpu.memory_space<hbm>>
        %dma_wait3A_64 = tpu.memref_squeeze %dma_wait3A_63 : memref<1x1x1x25x80xi32, #tpu.memory_space<hbm>> -> memref<25x80xi32, #tpu.memory_space<hbm>>
        tpu.wait_dma2 semaphore(%run_scoped3A_48 : memref<!tpu.dma_semaphore, #tpu.memory_space<semaphore_mem>>) src(%dma_wait3A_64 : memref<25x80xi32, #tpu.memory_space<hbm>>) dst(%arg7 : memref<25x80xi32, #tpu.memory_space<vmem>>)
        tpu.yield
      }) : () -> ()
      %dma_start3A = arith.constant 0 : i32
      %dma_start3A_24 = arith.constant 0 : i32
      %dma_start3A_25 = tpu.memref_slice %arg6[%dma_start3A, %dma_start3A_24] : memref<25x80xi32, #tpu.memory_space<vmem>> -> memref<1x80xi32, #tpu.memory_space<vmem>>
      %dma_start3A_26 = tpu.memref_squeeze %dma_start3A_25 : memref<1x80xi32, #tpu.memory_space<vmem>> -> memref<80xi32, #tpu.memory_space<vmem>>
      %dma_start3A_27 = arith.constant 0 : i32
      %dma_start3A_28 = arith.constant 0 : i32
      %dma_start3A_29 = tpu.memref_slice %arg2[%dma_start3A_27, %dma_start3A_28] : memref<10000x128xf32, #tpu.memory_space<hbm>> -> memref<10000x128xf32, #tpu.memory_space<hbm>>
      tpu.enqueue_indirect_dma source(%dma_start3A_29 : memref<10000x128xf32, #tpu.memory_space<hbm>>) target(%arg8 : memref<80x128xf32, #tpu.memory_space<vmem>>) offsets(%dma_start3A_26 : memref<80xi32, #tpu.memory_space<vmem>>) semaphore(%arg11 : memref<!tpu.dma_semaphore, #tpu.memory_space<semaphore_mem>>)
      %scan3A_30 = arith.constant 0 : i32
      %scan3A_31 = arith.constant 25 : i32
      %scan3A_32 = arith.addi %scan3A_30, %scan3A_31 : i32
      %scan3A_33 = arith.constant 1 : i32
      scf.for %scan3A_48 = %scan3A_30 to %scan3A_32 step %scan3A_33  : i32 {
        %rem3A = arith.constant 2 : i32
        %rem3A_49 = arith.remsi %scan3A_48, %rem3A : i32
        %add3A_50 = arith.constant 1 : i32
        %add3A_51 = arith.addi %scan3A_48, %add3A_50 : i32
        %lt3A = arith.constant 25 : i32
        %lt3A_52 = arith.cmpi slt, %add3A_51, %lt3A : i32
        %convert_element_type3A_53 = arith.extui %lt3A_52 : i1 to i32
        %cond3A_54 = arith.constant 0 : i32
        %cond3A_55 = arith.cmpi ne, %convert_element_type3A_53, %cond3A_54 : i32
        scf.if %cond3A_55 {
          %eq3A_66 = arith.constant 0 : i32
          %eq3A_67 = arith.cmpi eq, %rem3A_49, %eq3A_66 : i32
          %convert_element_type3A_68 = arith.extui %eq3A_67 : i1 to i32
          %cond3A_69 = arith.constant 0 : i32
          %cond3A_70 = arith.cmpi ne, %convert_element_type3A_68, %cond3A_69 : i32
          scf.if %cond3A_70 {
            %ge3A = arith.constant 1 : i32
            %ge3A_76 = arith.cmpi sge, %scan3A_48, %ge3A : i32
            %convert_element_type3A_77 = arith.extui %ge3A_76 : i1 to i32
            %cond3A_78 = arith.constant 0 : i32
            %cond3A_79 = arith.cmpi ne, %convert_element_type3A_77, %cond3A_78 : i32
            scf.if %cond3A_79 {
              %sub3A = arith.constant 1 : i32
              %sub3A_88 = arith.subi %scan3A_48, %sub3A : i32
              %dma_wait3A_89 = arith.constant 0 : i32
              %dma_wait3A_90 = tpu.memref_slice %arg7[%sub3A_88, %dma_wait3A_89] : memref<25x80xi32, #tpu.memory_space<vmem>> -> memref<1x80xi32, #tpu.memory_space<vmem>>
              %dma_wait3A_91 = tpu.memref_squeeze %dma_wait3A_90 : memref<1x80xi32, #tpu.memory_space<vmem>> -> memref<80xi32, #tpu.memory_space<vmem>>
              %dma_wait3A_92 = arith.constant 0 : i32
              %dma_wait3A_93 = arith.constant 0 : i32
              %dma_wait3A_94 = tpu.memref_slice %arg10[%dma_wait3A_92, %dma_wait3A_93] : memref<10008x128xf32, #tpu.memory_space<vmem_shared>> -> memref<10008x128xf32, #tpu.memory_space<vmem_shared>>
              tpu.wait_indirect_dma semaphore(%arg14 : memref<!tpu.dma_semaphore, #tpu.memory_space<semaphore_mem>>) src(%arg9 : memref<80x128xf32, #tpu.memory_space<vmem>>) dst(%dma_wait3A_94 : memref<10008x128xf32, #tpu.memory_space<vmem_shared>>)
            } else {
            }
            %add3A_80 = arith.constant 1 : i32
            %add3A_81 = arith.addi %scan3A_48, %add3A_80 : i32
            %dma_start3A_82 = arith.constant 0 : i32
            %dma_start3A_83 = tpu.memref_slice %arg6[%add3A_81, %dma_start3A_82] : memref<25x80xi32, #tpu.memory_space<vmem>> -> memref<1x80xi32, #tpu.memory_space<vmem>>
            %dma_start3A_84 = tpu.memref_squeeze %dma_start3A_83 : memref<1x80xi32, #tpu.memory_space<vmem>> -> memref<80xi32, #tpu.memory_space<vmem>>
            %dma_start3A_85 = arith.constant 0 : i32
            %dma_start3A_86 = arith.constant 0 : i32
            %dma_start3A_87 = tpu.memref_slice %arg2[%dma_start3A_85, %dma_start3A_86] : memref<10000x128xf32, #tpu.memory_space<hbm>> -> memref<10000x128xf32, #tpu.memory_space<hbm>>
            tpu.enqueue_indirect_dma source(%dma_start3A_87 : memref<10000x128xf32, #tpu.memory_space<hbm>>) target(%arg9 : memref<80x128xf32, #tpu.memory_space<vmem>>) offsets(%dma_start3A_84 : memref<80xi32, #tpu.memory_space<vmem>>) semaphore(%arg12 : memref<!tpu.dma_semaphore, #tpu.memory_space<semaphore_mem>>)
          } else {
          }
          %eq3A_71 = arith.constant 1 : i32
          %eq3A_72 = arith.cmpi eq, %rem3A_49, %eq3A_71 : i32
          %convert_element_type3A_73 = arith.extui %eq3A_72 : i1 to i32
          %cond3A_74 = arith.constant 0 : i32
          %cond3A_75 = arith.cmpi ne, %convert_element_type3A_73, %cond3A_74 : i32
          scf.if %cond3A_75 {
            %sub3A = arith.constant 1 : i32
            %sub3A_76 = arith.subi %scan3A_48, %sub3A : i32
            %dma_wait3A_77 = arith.constant 0 : i32
            %dma_wait3A_78 = tpu.memref_slice %arg7[%sub3A_76, %dma_wait3A_77] : memref<25x80xi32, #tpu.memory_space<vmem>> -> memref<1x80xi32, #tpu.memory_space<vmem>>
            %dma_wait3A_79 = tpu.memref_squeeze %dma_wait3A_78 : memref<1x80xi32, #tpu.memory_space<vmem>> -> memref<80xi32, #tpu.memory_space<vmem>>
            %dma_wait3A_80 = arith.constant 0 : i32
            %dma_wait3A_81 = arith.constant 0 : i32
            %dma_wait3A_82 = tpu.memref_slice %arg10[%dma_wait3A_80, %dma_wait3A_81] : memref<10008x128xf32, #tpu.memory_space<vmem_shared>> -> memref<10008x128xf32, #tpu.memory_space<vmem_shared>>
            tpu.wait_indirect_dma semaphore(%arg13 : memref<!tpu.dma_semaphore, #tpu.memory_space<semaphore_mem>>) src(%arg8 : memref<80x128xf32, #tpu.memory_space<vmem>>) dst(%dma_wait3A_82 : memref<10008x128xf32, #tpu.memory_space<vmem_shared>>)
            %add3A_83 = arith.constant 1 : i32
            %add3A_84 = arith.addi %scan3A_48, %add3A_83 : i32
            %dma_start3A_85 = arith.constant 0 : i32
            %dma_start3A_86 = tpu.memref_slice %arg6[%add3A_84, %dma_start3A_85] : memref<25x80xi32, #tpu.memory_space<vmem>> -> memref<1x80xi32, #tpu.memory_space<vmem>>
            %dma_start3A_87 = tpu.memref_squeeze %dma_start3A_86 : memref<1x80xi32, #tpu.memory_space<vmem>> -> memref<80xi32, #tpu.memory_space<vmem>>
            %dma_start3A_88 = arith.constant 0 : i32
            %dma_start3A_89 = arith.constant 0 : i32
            %dma_start3A_90 = tpu.memref_slice %arg2[%dma_start3A_88, %dma_start3A_89] : memref<10000x128xf32, #tpu.memory_space<hbm>> -> memref<10000x128xf32, #tpu.memory_space<hbm>>
            tpu.enqueue_indirect_dma source(%dma_start3A_90 : memref<10000x128xf32, #tpu.memory_space<hbm>>) target(%arg8 : memref<80x128xf32, #tpu.memory_space<vmem>>) offsets(%dma_start3A_87 : memref<80xi32, #tpu.memory_space<vmem>>) semaphore(%arg11 : memref<!tpu.dma_semaphore, #tpu.memory_space<semaphore_mem>>)
          } else {
          }
        } else {
        }
        %eq3A_56 = arith.constant 0 : i32
        %eq3A_57 = arith.cmpi eq, %rem3A_49, %eq3A_56 : i32
        %convert_element_type3A_58 = arith.extui %eq3A_57 : i1 to i32
        %cond3A_59 = arith.constant 0 : i32
        %cond3A_60 = arith.cmpi ne, %convert_element_type3A_58, %cond3A_59 : i32
        scf.if %cond3A_60 {
          %dma_wait3A_66 = arith.constant 0 : i32
          %dma_wait3A_67 = tpu.memref_slice %arg6[%scan3A_48, %dma_wait3A_66] : memref<25x80xi32, #tpu.memory_space<vmem>> -> memref<1x80xi32, #tpu.memory_space<vmem>>
          %dma_wait3A_68 = tpu.memref_squeeze %dma_wait3A_67 : memref<1x80xi32, #tpu.memory_space<vmem>> -> memref<80xi32, #tpu.memory_space<vmem>>
          %dma_wait3A_69 = arith.constant 0 : i32
          %dma_wait3A_70 = arith.constant 0 : i32
          %dma_wait3A_71 = tpu.memref_slice %arg2[%dma_wait3A_69, %dma_wait3A_70] : memref<10000x128xf32, #tpu.memory_space<hbm>> -> memref<10000x128xf32, #tpu.memory_space<hbm>>
          tpu.wait_indirect_dma semaphore(%arg11 : memref<!tpu.dma_semaphore, #tpu.memory_space<semaphore_mem>>) src(%dma_wait3A_71 : memref<10000x128xf32, #tpu.memory_space<hbm>>) dst(%arg8 : memref<80x128xf32, #tpu.memory_space<vmem>>)
          %dma_start3A_72 = arith.constant 0 : i32
          %dma_start3A_73 = tpu.memref_slice %arg7[%scan3A_48, %dma_start3A_72] : memref<25x80xi32, #tpu.memory_space<vmem>> -> memref<1x80xi32, #tpu.memory_space<vmem>>
          %dma_start3A_74 = tpu.memref_squeeze %dma_start3A_73 : memref<1x80xi32, #tpu.memory_space<vmem>> -> memref<80xi32, #tpu.memory_space<vmem>>
          %dma_start3A_75 = arith.constant 0 : i32
          %dma_start3A_76 = arith.constant 0 : i32
          %dma_start3A_77 = tpu.memref_slice %arg10[%dma_start3A_75, %dma_start3A_76] : memref<10008x128xf32, #tpu.memory_space<vmem_shared>> -> memref<10008x128xf32, #tpu.memory_space<vmem_shared>>
          tpu.enqueue_indirect_dma source(%arg8 : memref<80x128xf32, #tpu.memory_space<vmem>>) target(%dma_start3A_77 : memref<10008x128xf32, #tpu.memory_space<vmem_shared>>) offsets(%dma_start3A_74 : memref<80xi32, #tpu.memory_space<vmem>>) semaphore(%arg13 : memref<!tpu.dma_semaphore, #tpu.memory_space<semaphore_mem>>) {add = true}
        } else {
        }
        %eq3A_61 = arith.constant 1 : i32
        %eq3A_62 = arith.cmpi eq, %rem3A_49, %eq3A_61 : i32
        %convert_element_type3A_63 = arith.extui %eq3A_62 : i1 to i32
        %cond3A_64 = arith.constant 0 : i32
        %cond3A_65 = arith.cmpi ne, %convert_element_type3A_63, %cond3A_64 : i32
        scf.if %cond3A_65 {
          %dma_wait3A_66 = arith.constant 0 : i32
          %dma_wait3A_67 = tpu.memref_slice %arg6[%scan3A_48, %dma_wait3A_66] : memref<25x80xi32, #tpu.memory_space<vmem>> -> memref<1x80xi32, #tpu.memory_space<vmem>>
          %dma_wait3A_68 = tpu.memref_squeeze %dma_wait3A_67 : memref<1x80xi32, #tpu.memory_space<vmem>> -> memref<80xi32, #tpu.memory_space<vmem>>
          %dma_wait3A_69 = arith.constant 0 : i32
          %dma_wait3A_70 = arith.constant 0 : i32
          %dma_wait3A_71 = tpu.memref_slice %arg2[%dma_wait3A_69, %dma_wait3A_70] : memref<10000x128xf32, #tpu.memory_space<hbm>> -> memref<10000x128xf32, #tpu.memory_space<hbm>>
          tpu.wait_indirect_dma semaphore(%arg12 : memref<!tpu.dma_semaphore, #tpu.memory_space<semaphore_mem>>) src(%dma_wait3A_71 : memref<10000x128xf32, #tpu.memory_space<hbm>>) dst(%arg9 : memref<80x128xf32, #tpu.memory_space<vmem>>)
          %dma_start3A_72 = arith.constant 0 : i32
          %dma_start3A_73 = tpu.memref_slice %arg7[%scan3A_48, %dma_start3A_72] : memref<25x80xi32, #tpu.memory_space<vmem>> -> memref<1x80xi32, #tpu.memory_space<vmem>>
          %dma_start3A_74 = tpu.memref_squeeze %dma_start3A_73 : memref<1x80xi32, #tpu.memory_space<vmem>> -> memref<80xi32, #tpu.memory_space<vmem>>
          %dma_start3A_75 = arith.constant 0 : i32
          %dma_start3A_76 = arith.constant 0 : i32
          %dma_start3A_77 = tpu.memref_slice %arg10[%dma_start3A_75, %dma_start3A_76] : memref<10008x128xf32, #tpu.memory_space<vmem_shared>> -> memref<10008x128xf32, #tpu.memory_space<vmem_shared>>
          tpu.enqueue_indirect_dma source(%arg9 : memref<80x128xf32, #tpu.memory_space<vmem>>) target(%dma_start3A_77 : memref<10008x128xf32, #tpu.memory_space<vmem_shared>>) offsets(%dma_start3A_74 : memref<80xi32, #tpu.memory_space<vmem>>) semaphore(%arg14 : memref<!tpu.dma_semaphore, #tpu.memory_space<semaphore_mem>>) {add = true}
        } else {
        }
      }
      %scan3A_34 = arith.constant 25 : i32
      %dma_wait3A = arith.constant 23 : i32
      %dma_wait3A_35 = arith.constant 0 : i32
      %dma_wait3A_36 = tpu.memref_slice %arg7[%dma_wait3A, %dma_wait3A_35] : memref<25x80xi32, #tpu.memory_space<vmem>> -> memref<1x80xi32, #tpu.memory_space<vmem>>
      %dma_wait3A_37 = tpu.memref_squeeze %dma_wait3A_36 : memref<1x80xi32, #tpu.memory_space<vmem>> -> memref<80xi32, #tpu.memory_space<vmem>>
      %dma_wait3A_38 = arith.constant 0 : i32
      %dma_wait3A_39 = arith.constant 0 : i32
      %dma_wait3A_40 = tpu.memref_slice %arg10[%dma_wait3A_38, %dma_wait3A_39] : memref<10008x128xf32, #tpu.memory_space<vmem_shared>> -> memref<10008x128xf32, #tpu.memory_space<vmem_shared>>
      tpu.wait_indirect_dma semaphore(%arg14 : memref<!tpu.dma_semaphore, #tpu.memory_space<semaphore_mem>>) src(%arg9 : memref<80x128xf32, #tpu.memory_space<vmem>>) dst(%dma_wait3A_40 : memref<10008x128xf32, #tpu.memory_space<vmem_shared>>)
      %dma_wait3A_41 = arith.constant 24 : i32
      %dma_wait3A_42 = arith.constant 0 : i32
      %dma_wait3A_43 = tpu.memref_slice %arg7[%dma_wait3A_41, %dma_wait3A_42] : memref<25x80xi32, #tpu.memory_space<vmem>> -> memref<1x80xi32, #tpu.memory_space<vmem>>
      %dma_wait3A_44 = tpu.memref_squeeze %dma_wait3A_43 : memref<1x80xi32, #tpu.memory_space<vmem>> -> memref<80xi32, #tpu.memory_space<vmem>>
      %dma_wait3A_45 = arith.constant 0 : i32
      %dma_wait3A_46 = arith.constant 0 : i32
      %dma_wait3A_47 = tpu.memref_slice %arg10[%dma_wait3A_45, %dma_wait3A_46] : memref<10008x128xf32, #tpu.memory_space<vmem_shared>> -> memref<10008x128xf32, #tpu.memory_space<vmem_shared>>
      tpu.wait_indirect_dma semaphore(%arg13 : memref<!tpu.dma_semaphore, #tpu.memory_space<semaphore_mem>>) src(%arg8 : memref<80x128xf32, #tpu.memory_space<vmem>>) dst(%dma_wait3A_47 : memref<10008x128xf32, #tpu.memory_space<vmem_shared>>)
    }
    %scan3A_11 = arith.constant 5 : i32
    %barrier3A_12 = arith.constant 0 : index
    tpu.barrier barrier_id(%barrier3A_12)
    %mul3A_13 = arith.constant 624 : i32
    %mul3A_14 = arith.muli %arg1, %mul3A_13 : i32
    %mul3A_15 = arith.constant 624 : i32
    %mul3A_16 = arith.muli %arg1, %mul3A_15 : i32
    "tpu.region"() ({
      %run_scoped3A = tpu.sem_alloc : memref<!tpu.dma_semaphore, #tpu.memory_space<semaphore_mem>>
      %dma_start3A = arith.constant 0 : i32
      %dma_start3A_22 = tpu.memref_slice %arg5[%arg0, %mul3A_16, %dma_start3A] : memref<2x10000x128xf32, #tpu.memory_space<hbm>> -> memref<1x624x128xf32, #tpu.memory_space<hbm>>
      %dma_start3A_23 = tpu.memref_squeeze %dma_start3A_22 : memref<1x624x128xf32, #tpu.memory_space<hbm>> -> memref<624x128xf32, #tpu.memory_space<hbm>>
      %dma_start3A_24 = arith.constant 0 : i32
      %dma_start3A_25 = tpu.memref_slice %arg10[%mul3A_14, %dma_start3A_24] : memref<10008x128xf32, #tpu.memory_space<vmem_shared>> -> memref<624x128xf32, #tpu.memory_space<vmem_shared>>
      tpu.enqueue_dma source(%dma_start3A_25 : memref<624x128xf32, #tpu.memory_space<vmem_shared>>) target(%dma_start3A_23 : memref<624x128xf32, #tpu.memory_space<hbm>>) target_semaphore(%run_scoped3A : memref<!tpu.dma_semaphore, #tpu.memory_space<semaphore_mem>>)
      %dma_wait3A = arith.constant 0 : i32
      %dma_wait3A_26 = tpu.memref_slice %arg5[%arg0, %mul3A_16, %dma_wait3A] : memref<2x10000x128xf32, #tpu.memory_space<hbm>> -> memref<1x624x128xf32, #tpu.memory_space<hbm>>
      %dma_wait3A_27 = tpu.memref_squeeze %dma_wait3A_26 : memref<1x624x128xf32, #tpu.memory_space<hbm>> -> memref<624x128xf32, #tpu.memory_space<hbm>>
      %dma_wait3A_28 = arith.constant 0 : i32
      %dma_wait3A_29 = tpu.memref_slice %arg10[%mul3A_14, %dma_wait3A_28] : memref<10008x128xf32, #tpu.memory_space<vmem_shared>> -> memref<624x128xf32, #tpu.memory_space<vmem_shared>>
      tpu.wait_dma2 semaphore(%run_scoped3A : memref<!tpu.dma_semaphore, #tpu.memory_space<semaphore_mem>>) src(%dma_wait3A_29 : memref<624x128xf32, #tpu.memory_space<vmem_shared>>) dst(%dma_wait3A_27 : memref<624x128xf32, #tpu.memory_space<hbm>>)
      tpu.yield
    }) : () -> ()
    %eq3A_17 = arith.constant 15 : i32
    %eq3A_18 = arith.cmpi eq, %arg1, %eq3A_17 : i32
    %convert_element_type3A_19 = arith.extui %eq3A_18 : i1 to i32
    %cond3A_20 = arith.constant 0 : i32
    %cond3A_21 = arith.cmpi ne, %convert_element_type3A_19, %cond3A_20 : i32
    scf.if %cond3A_21 {
      "tpu.region"() ({
        %run_scoped3A = tpu.sem_alloc : memref<!tpu.dma_semaphore, #tpu.memory_space<semaphore_mem>>
        %dma_start3A = arith.constant 9984 : i32
        %dma_start3A_22 = arith.constant 0 : i32
        %dma_start3A_23 = tpu.memref_slice %arg5[%arg0, %dma_start3A, %dma_start3A_22] : memref<2x10000x128xf32, #tpu.memory_space<hbm>> -> memref<1x16x128xf32, #tpu.memory_space<hbm>>
        %dma_start3A_24 = tpu.memref_squeeze %dma_start3A_23 : memref<1x16x128xf32, #tpu.memory_space<hbm>> -> memref<16x128xf32, #tpu.memory_space<hbm>>
        %dma_start3A_25 = arith.constant 9984 : i32
        %dma_start3A_26 = arith.constant 0 : i32
        %dma_start3A_27 = tpu.memref_slice %arg10[%dma_start3A_25, %dma_start3A_26] : memref<10008x128xf32, #tpu.memory_space<vmem_shared>> -> memref<16x128xf32, #tpu.memory_space<vmem_shared>>
        tpu.enqueue_dma source(%dma_start3A_27 : memref<16x128xf32, #tpu.memory_space<vmem_shared>>) target(%dma_start3A_24 : memref<16x128xf32, #tpu.memory_space<hbm>>) target_semaphore(%run_scoped3A : memref<!tpu.dma_semaphore, #tpu.memory_space<semaphore_mem>>)
        %dma_wait3A = arith.constant 9984 : i32
        %dma_wait3A_28 = arith.constant 0 : i32
        %dma_wait3A_29 = tpu.memref_slice %arg5[%arg0, %dma_wait3A, %dma_wait3A_28] : memref<2x10000x128xf32, #tpu.memory_space<hbm>> -> memref<1x16x128xf32, #tpu.memory_space<hbm>>
        %dma_wait3A_30 = tpu.memref_squeeze %dma_wait3A_29 : memref<1x16x128xf32, #tpu.memory_space<hbm>> -> memref<16x128xf32, #tpu.memory_space<hbm>>
        %dma_wait3A_31 = arith.constant 9984 : i32
        %dma_wait3A_32 = arith.constant 0 : i32
        %dma_wait3A_33 = tpu.memref_slice %arg10[%dma_wait3A_31, %dma_wait3A_32] : memref<10008x128xf32, #tpu.memory_space<vmem_shared>> -> memref<16x128xf32, #tpu.memory_space<vmem_shared>>
        tpu.wait_dma2 semaphore(%run_scoped3A : memref<!tpu.dma_semaphore, #tpu.memory_space<semaphore_mem>>) src(%dma_wait3A_33 : memref<16x128xf32, #tpu.memory_space<vmem_shared>>) dst(%dma_wait3A_30 : memref<16x128xf32, #tpu.memory_space<hbm>>)
        tpu.yield
      }) : () -> ()
    } else {
    }
    return
  }
}

module attributes {stable_mosaic.version = 14 : i64} {
  func.func @_pre_body(%arg0: i32, %arg1: memref<2000x128xf32, #tpu.memory_space<vmem>>, %arg2: memref<1x1x2000xi32, #tpu.memory_space<vmem>>, %arg3: memref<1x2000x1xi32, #tpu.memory_space<vmem>>, %arg4: memref<200x128xf32, #tpu.memory_space<vmem>>, %arg5: memref<1x128xf32, #tpu.memory_space<vmem>>, %arg6: memref<1x128xf32, #tpu.memory_space<vmem>>, %arg7: memref<1x128xf32, #tpu.memory_space<vmem>>, %arg8: memref<128x128xf32, #tpu.memory_space<vmem>>, %arg9: memref<1x128xf32, #tpu.memory_space<vmem>>, %arg10: memref<128x128xf32, #tpu.memory_space<vmem>>, %arg11: memref<1x128xf32, #tpu.memory_space<vmem>>, %arg12: memref<1x128xf32, #tpu.memory_space<vmem>>, %arg13: memref<1x128xf32, #tpu.memory_space<vmem>>, %arg14: memref<1x128xf32, #tpu.memory_space<vmem>>, %arg15: memref<2000x128xf32, #tpu.memory_space<vmem>>, %arg16: memref<2000x128xf32, #tpu.memory_space<vmem>>, %arg17: memref<200x128xf32, #tpu.memory_space<vmem>>, %arg18: memref<200x128xf32, #tpu.memory_space<vmem>>, %arg19: memref<5x2000x128xf32, #tpu.memory_space<vmem>>, %arg20: memref<200x128xf32, #tpu.memory_space<vmem>>, %arg21: memref<200x128xf32, #tpu.memory_space<vmem>>, %arg22: memref<200x128xf32, #tpu.memory_space<vmem>>, %arg23: memref<200x128xf32, #tpu.memory_space<vmem>>, %arg24: memref<200x128xf32, #tpu.memory_space<vmem>>) attributes {dimension_semantics = [#tpu.dimension_semantics<arbitrary>], iteration_bounds = array<i64: 15>, scalar_prefetch = 0 : i64, scratch_operands = 6 : i64, tpu.core_type = #tpu.core_type<tc>, window_params = [{transform_indices = @transform_0, window_bounds = array<i64: 2000, 128>}, {transform_indices = @transform_1, window_bounds = array<i64: 1, 1, 2000>}, {transform_indices = @transform_2, window_bounds = array<i64: 1, 2000, 1>}, {pipeline_mode = #tpu.pipeline_mode<synchronous>, transform_indices = @transform_3, window_bounds = array<i64: 200, 128>}, {pipeline_mode = #tpu.pipeline_mode<synchronous>, transform_indices = @transform_4, window_bounds = array<i64: 1, 128>}, {pipeline_mode = #tpu.pipeline_mode<synchronous>, transform_indices = @transform_5, window_bounds = array<i64: 1, 128>}, {pipeline_mode = #tpu.pipeline_mode<synchronous>, transform_indices = @transform_6, window_bounds = array<i64: 1, 128>}, {pipeline_mode = #tpu.pipeline_mode<synchronous>, transform_indices = @transform_7, window_bounds = array<i64: 128, 128>}, {pipeline_mode = #tpu.pipeline_mode<synchronous>, transform_indices = @transform_8, window_bounds = array<i64: 1, 128>}, {pipeline_mode = #tpu.pipeline_mode<synchronous>, transform_indices = @transform_9, window_bounds = array<i64: 128, 128>}, {pipeline_mode = #tpu.pipeline_mode<synchronous>, transform_indices = @transform_10, window_bounds = array<i64: 1, 128>}, {pipeline_mode = #tpu.pipeline_mode<synchronous>, transform_indices = @transform_11, window_bounds = array<i64: 1, 128>}, {pipeline_mode = #tpu.pipeline_mode<synchronous>, transform_indices = @transform_12, window_bounds = array<i64: 1, 128>}, {pipeline_mode = #tpu.pipeline_mode<synchronous>, transform_indices = @transform_13, window_bounds = array<i64: 1, 128>}, {transform_indices = @transform_14, window_bounds = array<i64: 2000, 128>}, {transform_indices = @transform_15, window_bounds = array<i64: 2000, 128>}, {pipeline_mode = #tpu.pipeline_mode<synchronous>, transform_indices = @transform_16, window_bounds = array<i64: 200, 128>}, {pipeline_mode = #tpu.pipeline_mode<synchronous>, transform_indices = @transform_17, window_bounds = array<i64: 200, 128>}]} {
    %jit3A = arith.constant 5 : i32
    %div3A = arith.divsi %arg0, %jit3A : i32
    %sign3A = arith.constant 0 : i32
    %sign3A_0 = arith.cmpi sgt, %arg0, %sign3A : i32
    %sign3A_1 = arith.extui %sign3A_0 : i1 to i32
    %sign3A_2 = arith.constant 0 : i32
    %sign3A_3 = arith.cmpi slt, %arg0, %sign3A_2 : i32
    %sign3A_4 = arith.extui %sign3A_3 : i1 to i32
    %sign3A_5 = arith.subi %sign3A_1, %sign3A_4 : i32
    %sign3A_6 = arith.constant 0 : i32
    %sign3A_7 = arith.cmpi sgt, %jit3A, %sign3A_6 : i32
    %sign3A_8 = arith.extui %sign3A_7 : i1 to i32
    %sign3A_9 = arith.constant 0 : i32
    %sign3A_10 = arith.cmpi slt, %jit3A, %sign3A_9 : i32
    %sign3A_11 = arith.extui %sign3A_10 : i1 to i32
    %sign3A_12 = arith.subi %sign3A_8, %sign3A_11 : i32
    %ne3A = arith.cmpi ne, %sign3A_5, %sign3A_12 : i32
    %rem3A = arith.remsi %arg0, %jit3A : i32
    %ne3A_13 = arith.constant 0 : i32
    %ne3A_14 = arith.cmpi ne, %rem3A, %ne3A_13 : i32
    %and3A = arith.andi %ne3A, %ne3A_14 : i1
    %sub3A = arith.constant 1 : i32
    %sub3A_15 = arith.subi %div3A, %sub3A : i32
    %select_n3A = arith.select %and3A, %sub3A_15, %div3A : i32
    %jit3A_16 = arith.constant 5 : i32
    %eq3A = arith.constant 0 : i32
    %eq3A_17 = arith.cmpi eq, %jit3A_16, %eq3A : i32
    %jit3A_18 = arith.constant 1 : i32
    %select_n3A_19 = arith.select %eq3A_17, %jit3A_18, %jit3A_16 : i32
    %rem3A_20 = arith.remsi %arg0, %select_n3A_19 : i32
    %ne3A_21 = arith.constant 0 : i32
    %ne3A_22 = arith.cmpi ne, %rem3A_20, %ne3A_21 : i32
    %lt3A = arith.constant 0 : i32
    %lt3A_23 = arith.cmpi slt, %rem3A_20, %lt3A : i32
    %lt3A_24 = arith.constant 0 : i32
    %lt3A_25 = arith.cmpi slt, %select_n3A_19, %lt3A_24 : i32
    %ne3A_26 = arith.xori %lt3A_23, %lt3A_25 : i1
    %and3A_27 = arith.andi %ne3A_26, %ne3A_22 : i1
    %add3A = arith.addi %rem3A_20, %select_n3A_19 : i32
    %select_n3A_28 = arith.select %and3A_27, %add3A, %rem3A_20 : i32
    %eq3A_29 = arith.constant 0 : i32
    %eq3A_30 = arith.cmpi eq, %select_n3A, %eq3A_29 : i32
    %convert_element_type3A = arith.extui %eq3A_30 : i1 to i32
    %cond3A = arith.constant 0 : i32
    %cond3A_31 = arith.cmpi ne, %convert_element_type3A, %cond3A : i32
    scf.if %cond3A_31 {
      %get3A = arith.constant 0 : index
      %get3A_47 = arith.constant 0 : index
      %get3A_48 = vector.load %arg1[%get3A, %get3A_47] : memref<2000x128xf32, #tpu.memory_space<vmem>>, vector<2000x128xf32>
      %get3A_49 = arith.constant 0 : index
      %get3A_50 = arith.constant 0 : index
      %get3A_51 = arith.constant 0 : index
      %get3A_52 = vector.load %arg2[%get3A_49, %get3A_50, %get3A_51] : memref<1x1x2000xi32, #tpu.memory_space<vmem>>, vector<1x1x2000xi32>
      %get3A_53 = vector.shape_cast %get3A_52 : vector<1x1x2000xi32> to vector<1x2000xi32>
      %iota3A = tpu.iota {dimensions = array<i32: 0>} : vector<200x2000xi32>
      %eq3A_54 = vector.broadcast %get3A_53 : vector<1x2000xi32> to vector<200x2000xi32>
      %eq3A_55 = arith.cmpi eq, %iota3A, %eq3A_54 : vector<200x2000xi32>
      %convert_element_type3A_56 = arith.extui %eq3A_55 : vector<200x2000xi1> to vector<200x2000xi32>
      %convert_element_type3A_57 = arith.sitofp %convert_element_type3A_56 : vector<200x2000xi32> to vector<200x2000xf32>
      %eq3A_58 = arith.constant 0 : i32
      %eq3A_59 = arith.cmpi eq, %select_n3A_28, %eq3A_58 : i32
      %convert_element_type3A_60 = arith.extui %eq3A_59 : i1 to i32
      %cond3A_61 = arith.constant 0 : i32
      %cond3A_62 = arith.cmpi ne, %convert_element_type3A_60, %cond3A_61 : i32
      scf.if %cond3A_62 {
        %broadcast_in_dim3A_89 = arith.constant 0.000000e+00 : f32
        %broadcast_in_dim3A_90 = vector.broadcast %broadcast_in_dim3A_89 : f32 to vector<200x128xf32>
        %swap3A_91 = arith.constant 0 : index
        %swap3A_92 = arith.constant 0 : index
        %swap3A_93 = vector.load %arg20[%swap3A_91, %swap3A_92] : memref<200x128xf32, #tpu.memory_space<vmem>>, vector<200x128xf32>
        tpu.vector_store %arg20[%swap3A_91, %swap3A_92], %broadcast_in_dim3A_90 {strides = array<i32>} : memref<200x128xf32, #tpu.memory_space<vmem>>, vector<200x128xf32>,
        %broadcast_in_dim3A_94 = arith.constant 0.000000e+00 : f32
        %broadcast_in_dim3A_95 = vector.broadcast %broadcast_in_dim3A_94 : f32 to vector<200x128xf32>
        %swap3A_96 = arith.constant 0 : index
        %swap3A_97 = arith.constant 0 : index
        %swap3A_98 = vector.load %arg21[%swap3A_96, %swap3A_97] : memref<200x128xf32, #tpu.memory_space<vmem>>, vector<200x128xf32>
        tpu.vector_store %arg21[%swap3A_96, %swap3A_97], %broadcast_in_dim3A_95 {strides = array<i32>} : memref<200x128xf32, #tpu.memory_space<vmem>>, vector<200x128xf32>,
        %broadcast_in_dim3A_99 = arith.constant 0.000000e+00 : f32
        %broadcast_in_dim3A_100 = vector.broadcast %broadcast_in_dim3A_99 : f32 to vector<200x128xf32>
        %swap3A_101 = arith.constant 0 : index
        %swap3A_102 = arith.constant 0 : index
        %swap3A_103 = vector.load %arg22[%swap3A_101, %swap3A_102] : memref<200x128xf32, #tpu.memory_space<vmem>>, vector<200x128xf32>
        tpu.vector_store %arg22[%swap3A_101, %swap3A_102], %broadcast_in_dim3A_100 {strides = array<i32>} : memref<200x128xf32, #tpu.memory_space<vmem>>, vector<200x128xf32>,
      } else {
      }
      %get3A_63 = arith.constant 0 : index
      %get3A_64 = arith.constant 0 : index
      %get3A_65 = vector.load %arg20[%get3A_63, %get3A_64] : memref<200x128xf32, #tpu.memory_space<vmem>>, vector<200x128xf32>
      %dot_general3A = arith.constant dense<0.000000e+00> : vector<200x128xf32>
      %dot_general3A_66 = tpu.matmul %convert_element_type3A_57, %get3A_48, %dot_general3A {dimension_numbers = #tpu.dot_dimension_numbers<[1], [0], [0], [1], [0, 0, 1, 1], [], []>, transpose_lhs_hint = false} : vector<200x2000xf32>, vector<2000x128xf32>, vector<200x128xf32> -> vector<200x128xf32>
      %add3A_67 = arith.addf %get3A_65, %dot_general3A_66 : vector<200x128xf32>
      %swap3A = arith.constant 0 : index
      %swap3A_68 = arith.constant 0 : index
      %swap3A_69 = vector.load %arg20[%swap3A, %swap3A_68] : memref<200x128xf32, #tpu.memory_space<vmem>>, vector<200x128xf32>
      tpu.vector_store %arg20[%swap3A, %swap3A_68], %add3A_67 {strides = array<i32>} : memref<200x128xf32, #tpu.memory_space<vmem>>, vector<200x128xf32>,
      %get3A_70 = arith.constant 0 : index
      %get3A_71 = arith.constant 0 : index
      %get3A_72 = vector.load %arg21[%get3A_70, %get3A_71] : memref<200x128xf32, #tpu.memory_space<vmem>>, vector<200x128xf32>
      %mul3A = arith.mulf %get3A_48, %get3A_48 : vector<2000x128xf32>
      %dot_general3A_73 = arith.constant dense<0.000000e+00> : vector<200x128xf32>
      %dot_general3A_74 = tpu.matmul %convert_element_type3A_57, %mul3A, %dot_general3A_73 {dimension_numbers = #tpu.dot_dimension_numbers<[1], [0], [0], [1], [0, 0, 1, 1], [], []>, transpose_lhs_hint = false} : vector<200x2000xf32>, vector<2000x128xf32>, vector<200x128xf32> -> vector<200x128xf32>
      %add3A_75 = arith.addf %get3A_72, %dot_general3A_74 : vector<200x128xf32>
      %swap3A_76 = arith.constant 0 : index
      %swap3A_77 = arith.constant 0 : index
      %swap3A_78 = vector.load %arg21[%swap3A_76, %swap3A_77] : memref<200x128xf32, #tpu.memory_space<vmem>>, vector<200x128xf32>
      tpu.vector_store %arg21[%swap3A_76, %swap3A_77], %add3A_75 {strides = array<i32>} : memref<200x128xf32, #tpu.memory_space<vmem>>, vector<200x128xf32>,
      %get3A_79 = arith.constant 0 : index
      %get3A_80 = arith.constant 0 : index
      %get3A_81 = vector.load %arg22[%get3A_79, %get3A_80] : memref<200x128xf32, #tpu.memory_space<vmem>>, vector<200x128xf32>
      %broadcast_in_dim3A = arith.constant 1.000000e+00 : f32
      %broadcast_in_dim3A_82 = vector.broadcast %broadcast_in_dim3A : f32 to vector<2000x128xf32>
      %dot_general3A_83 = arith.constant dense<0.000000e+00> : vector<200x128xf32>
      %dot_general3A_84 = tpu.matmul %convert_element_type3A_57, %broadcast_in_dim3A_82, %dot_general3A_83 {dimension_numbers = #tpu.dot_dimension_numbers<[1], [0], [0], [1], [0, 0, 1, 1], [], []>, transpose_lhs_hint = false} : vector<200x2000xf32>, vector<2000x128xf32>, vector<200x128xf32> -> vector<200x128xf32>
      %add3A_85 = arith.addf %get3A_81, %dot_general3A_84 : vector<200x128xf32>
      %swap3A_86 = arith.constant 0 : index
      %swap3A_87 = arith.constant 0 : index
      %swap3A_88 = vector.load %arg22[%swap3A_86, %swap3A_87] : memref<200x128xf32, #tpu.memory_space<vmem>>, vector<200x128xf32>
      tpu.vector_store %arg22[%swap3A_86, %swap3A_87], %add3A_85 {strides = array<i32>} : memref<200x128xf32, #tpu.memory_space<vmem>>, vector<200x128xf32>,
    } else {
    }
    %eq3A_32 = arith.constant 1 : i32
    %eq3A_33 = arith.cmpi eq, %select_n3A, %eq3A_32 : i32
    %convert_element_type3A_34 = arith.extui %eq3A_33 : i1 to i32
    %cond3A_35 = arith.constant 0 : i32
    %cond3A_36 = arith.cmpi ne, %convert_element_type3A_34, %cond3A_35 : i32
    scf.if %cond3A_36 {
      %get3A = arith.constant 0 : index
      %get3A_47 = arith.constant 0 : index
      %get3A_48 = vector.load %arg1[%get3A, %get3A_47] : memref<2000x128xf32, #tpu.memory_space<vmem>>, vector<2000x128xf32>
      %get3A_49 = arith.constant 0 : index
      %get3A_50 = arith.constant 0 : index
      %get3A_51 = vector.load %arg7[%get3A_49, %get3A_50] : memref<1x128xf32, #tpu.memory_space<vmem>>, vector<1x128xf32>
      %get3A_52 = arith.constant 0 : index
      %get3A_53 = arith.constant 0 : index
      %get3A_54 = vector.load %arg20[%get3A_52, %get3A_53] : memref<200x128xf32, #tpu.memory_space<vmem>>, vector<200x128xf32>
      %get3A_55 = arith.constant 0 : index
      %get3A_56 = arith.constant 0 : index
      %get3A_57 = vector.load %arg21[%get3A_55, %get3A_56] : memref<200x128xf32, #tpu.memory_space<vmem>>, vector<200x128xf32>
      %get3A_58 = arith.constant 0 : index
      %get3A_59 = arith.constant 0 : index
      %get3A_60 = vector.load %arg22[%get3A_58, %get3A_59] : memref<200x128xf32, #tpu.memory_space<vmem>>, vector<200x128xf32>
      %max3A = arith.constant 1.000000e+00 : f32
      %max3A_61 = vector.broadcast %max3A : f32 to vector<200x128xf32>
      %max3A_62 = arith.maximumf %get3A_60, %max3A_61 : vector<200x128xf32>
      %div3A_63 = arith.divf %get3A_54, %max3A_62 : vector<200x128xf32>
      %div3A_64 = arith.divf %get3A_57, %max3A_62 : vector<200x128xf32>
      %mul3A = arith.constant 2.000000e+00 : f32
      %mul3A_65 = vector.broadcast %mul3A : f32 to vector<1x128xf32>
      %mul3A_66 = arith.mulf %mul3A_65, %get3A_51 : vector<1x128xf32>
      %mul3A_67 = arith.mulf %get3A_51, %get3A_51 : vector<1x128xf32>
      %sub3A_68 = arith.subf %mul3A_66, %mul3A_67 : vector<1x128xf32>
      %mul3A_69 = vector.broadcast %sub3A_68 : vector<1x128xf32> to vector<200x128xf32>
      %mul3A_70 = arith.mulf %mul3A_69, %div3A_63 : vector<200x128xf32>
      %mul3A_71 = arith.mulf %mul3A_70, %div3A_63 : vector<200x128xf32>
      %sub3A_72 = arith.subf %div3A_64, %mul3A_71 : vector<200x128xf32>
      %add3A_73 = arith.constant 9.99999997E-7 : f32
      %add3A_74 = vector.broadcast %add3A_73 : f32 to vector<200x128xf32>
      %add3A_75 = arith.addf %sub3A_72, %add3A_74 : vector<200x128xf32>
      %rsqrt3A = math.rsqrt %add3A_75 : vector<200x128xf32>
      %get3A_76 = arith.constant 0 : index
      %get3A_77 = arith.constant 0 : index
      %get3A_78 = vector.load %arg4[%get3A_76, %get3A_77] : memref<200x128xf32, #tpu.memory_space<vmem>>, vector<200x128xf32>
      %concatenate3A = tpu.concatenate %div3A_63, %rsqrt3A, %get3A_78 in 1 : vector<200x128xf32>, vector<200x128xf32>, vector<200x128xf32> -> vector<200x384xf32>
      %get3A_79 = arith.constant 0 : index
      %get3A_80 = arith.constant 0 : index
      %get3A_81 = arith.constant 0 : index
      %get3A_82 = vector.load %arg3[%get3A_79, %get3A_80, %get3A_81] : memref<1x2000x1xi32, #tpu.memory_space<vmem>>, vector<1x2000x1xi32>
      %get3A_83 = vector.shape_cast %get3A_82 : vector<1x2000x1xi32> to vector<2000x1xi32>
      %iota3A = tpu.iota {dimensions = array<i32: 1>} : vector<2000x200xi32>
      %eq3A_84 = vector.broadcast %get3A_83 : vector<2000x1xi32> to vector<2000x200xi32>
      %eq3A_85 = arith.cmpi eq, %eq3A_84, %iota3A : vector<2000x200xi32>
      %convert_element_type3A_86 = arith.extui %eq3A_85 : vector<2000x200xi1> to vector<2000x200xi32>
      %convert_element_type3A_87 = arith.sitofp %convert_element_type3A_86 : vector<2000x200xi32> to vector<2000x200xf32>
      %dot_general3A = arith.constant dense<0.000000e+00> : vector<2000x384xf32>
      %dot_general3A_88 = tpu.matmul %convert_element_type3A_87, %concatenate3A, %dot_general3A {dimension_numbers = #tpu.dot_dimension_numbers<[1], [0], [0], [1], [0, 0, 1, 1], [], []>, transpose_lhs_hint = false} : vector<2000x200xf32>, vector<200x384xf32>, vector<2000x384xf32> -> vector<2000x384xf32>
      %slice3A = vector.extract_strided_slice %dot_general3A_88 {offsets = [0, 0], sizes = [2000, 128], strides = [1, 1]} : vector<2000x384xf32> to vector<2000x128xf32>
      %slice3A_89 = vector.extract_strided_slice %dot_general3A_88 {offsets = [0, 128], sizes = [2000, 128], strides = [1, 1]} : vector<2000x384xf32> to vector<2000x128xf32>
      %slice3A_90 = vector.extract_strided_slice %dot_general3A_88 {offsets = [0, 256], sizes = [2000, 128], strides = [1, 1]} : vector<2000x384xf32> to vector<2000x128xf32>
      %get3A_91 = arith.constant 0 : index
      %get3A_92 = arith.constant 0 : index
      %get3A_93 = vector.load %arg5[%get3A_91, %get3A_92] : memref<1x128xf32, #tpu.memory_space<vmem>>, vector<1x128xf32>
      %mul3A_94 = vector.broadcast %get3A_51 : vector<1x128xf32> to vector<2000x128xf32>
      %mul3A_95 = arith.mulf %mul3A_94, %slice3A : vector<2000x128xf32>
      %sub3A_96 = arith.subf %get3A_48, %mul3A_95 : vector<2000x128xf32>
      %mul3A_97 = vector.broadcast %get3A_93 : vector<1x128xf32> to vector<2000x128xf32>
      %mul3A_98 = arith.mulf %mul3A_97, %sub3A_96 : vector<2000x128xf32>
      %mul3A_99 = arith.mulf %mul3A_98, %slice3A_89 : vector<2000x128xf32>
      %get3A_100 = arith.constant 0 : index
      %get3A_101 = arith.constant 0 : index
      %get3A_102 = vector.load %arg6[%get3A_100, %get3A_101] : memref<1x128xf32, #tpu.memory_space<vmem>>, vector<1x128xf32>
      %add3A_103 = vector.broadcast %get3A_102 : vector<1x128xf32> to vector<2000x128xf32>
      %add3A_104 = arith.addf %mul3A_99, %add3A_103 : vector<2000x128xf32>
      %get3A_105 = arith.constant 0 : index
      %get3A_106 = arith.constant 0 : index
      %get3A_107 = vector.load %arg8[%get3A_105, %get3A_106] : memref<128x128xf32, #tpu.memory_space<vmem>>, vector<128x128xf32>
      %dot_general3A_108 = arith.constant dense<0.000000e+00> : vector<2000x128xf32>
      %dot_general3A_109 = tpu.matmul %add3A_104, %get3A_107, %dot_general3A_108 {dimension_numbers = #tpu.dot_dimension_numbers<[1], [0], [0], [1], [0, 0, 1, 1], [], []>, transpose_lhs_hint = false} : vector<2000x128xf32>, vector<128x128xf32>, vector<2000x128xf32> -> vector<2000x128xf32>
      %get3A_110 = arith.constant 0 : index
      %get3A_111 = arith.constant 0 : index
      %get3A_112 = vector.load %arg9[%get3A_110, %get3A_111] : memref<1x128xf32, #tpu.memory_space<vmem>>, vector<1x128xf32>
      %add3A_113 = vector.broadcast %get3A_112 : vector<1x128xf32> to vector<2000x128xf32>
      %add3A_114 = arith.addf %dot_general3A_109, %add3A_113 : vector<2000x128xf32>
      %ge3A = arith.constant 0.000000e+00 : f32
      %ge3A_115 = vector.broadcast %ge3A : f32 to vector<2000x128xf32>
      %ge3A_116 = arith.cmpf oge, %add3A_114, %ge3A_115 : vector<2000x128xf32>
      %mul3A_117 = arith.constant 0.00999999977 : f32
      %mul3A_118 = vector.broadcast %mul3A_117 : f32 to vector<2000x128xf32>
      %mul3A_119 = arith.mulf %mul3A_118, %add3A_114 : vector<2000x128xf32>
      %select_n3A_120 = arith.select %ge3A_116, %add3A_114, %mul3A_119 : vector<2000x128xi1>, vector<2000x128xf32>
      %get3A_121 = arith.constant 0 : index
      %get3A_122 = arith.constant 0 : index
      %get3A_123 = vector.load %arg10[%get3A_121, %get3A_122] : memref<128x128xf32, #tpu.memory_space<vmem>>, vector<128x128xf32>
      %dot_general3A_124 = arith.constant dense<0.000000e+00> : vector<2000x128xf32>
      %dot_general3A_125 = tpu.matmul %slice3A_90, %get3A_123, %dot_general3A_124 {dimension_numbers = #tpu.dot_dimension_numbers<[1], [0], [0], [1], [0, 0, 1, 1], [], []>, transpose_lhs_hint = false} : vector<2000x128xf32>, vector<128x128xf32>, vector<2000x128xf32> -> vector<2000x128xf32>
      %get3A_126 = arith.constant 0 : index
      %get3A_127 = arith.constant 0 : index
      %get3A_128 = vector.load %arg11[%get3A_126, %get3A_127] : memref<1x128xf32, #tpu.memory_space<vmem>>, vector<1x128xf32>
      %add3A_129 = vector.broadcast %get3A_128 : vector<1x128xf32> to vector<2000x128xf32>
      %add3A_130 = arith.addf %dot_general3A_125, %add3A_129 : vector<2000x128xf32>
      %ge3A_131 = arith.constant 0.000000e+00 : f32
      %ge3A_132 = vector.broadcast %ge3A_131 : f32 to vector<2000x128xf32>
      %ge3A_133 = arith.cmpf oge, %add3A_130, %ge3A_132 : vector<2000x128xf32>
      %mul3A_134 = arith.constant 0.00999999977 : f32
      %mul3A_135 = vector.broadcast %mul3A_134 : f32 to vector<2000x128xf32>
      %mul3A_136 = arith.mulf %mul3A_135, %add3A_130 : vector<2000x128xf32>
      %select_n3A_137 = arith.select %ge3A_133, %add3A_130, %mul3A_136 : vector<2000x128xi1>, vector<2000x128xf32>
      %add3A_138 = arith.addf %select_n3A_120, %select_n3A_137 : vector<2000x128xf32>
      %neg3A = arith.constant 0.000000e+00 : f32
      %neg3A_139 = vector.broadcast %neg3A : f32 to vector<2000x128xf32>
      %neg3A_140 = arith.subf %neg3A_139, %add3A_138 : vector<2000x128xf32>
      %exp3A = math.exp %neg3A_140 : vector<2000x128xf32>
      %add3A_141 = arith.constant 1.000000e+00 : f32
      %add3A_142 = vector.broadcast %add3A_141 : f32 to vector<2000x128xf32>
      %add3A_143 = arith.addf %add3A_142, %exp3A : vector<2000x128xf32>
      %div3A_144 = arith.constant 1.000000e+00 : f32
      %div3A_145 = vector.broadcast %div3A_144 : f32 to vector<2000x128xf32>
      %div3A_146 = arith.divf %div3A_145, %add3A_143 : vector<2000x128xf32>
      %mul3A_147 = arith.mulf %div3A_146, %add3A_104 : vector<2000x128xf32>
      %add3A_148 = arith.addf %get3A_48, %mul3A_147 : vector<2000x128xf32>
      %sub3A_149 = arith.constant 1.000000e+00 : f32
      %sub3A_150 = vector.broadcast %sub3A_149 : f32 to vector<2000x128xf32>
      %sub3A_151 = arith.subf %sub3A_150, %div3A_146 : vector<2000x128xf32>
      %mul3A_152 = arith.mulf %sub3A_151, %slice3A_90 : vector<2000x128xf32>
      %add3A_153 = arith.addf %add3A_148, %mul3A_152 : vector<2000x128xf32>
      %swap3A = arith.index_cast %select_n3A_28 : i32 to index
      %swap3A_154 = arith.constant 0 : index
      %swap3A_155 = arith.constant 0 : index
      %swap3A_156 = vector.load %arg19[%swap3A, %swap3A_154, %swap3A_155] : memref<5x2000x128xf32, #tpu.memory_space<vmem>>, vector<1x2000x128xf32>
      %swap3A_157 = vector.shape_cast %swap3A_156 : vector<1x2000x128xf32> to vector<2000x128xf32>
      %swap3A_158 = vector.shape_cast %add3A_153 : vector<2000x128xf32> to vector<1x2000x128xf32>
      tpu.vector_store %arg19[%swap3A, %swap3A_154, %swap3A_155], %swap3A_158 {strides = array<i32>} : memref<5x2000x128xf32, #tpu.memory_space<vmem>>, vector<1x2000x128xf32>,
      %get3A_159 = arith.constant 0 : index
      %get3A_160 = arith.constant 0 : index
      %get3A_161 = arith.constant 0 : index
      %get3A_162 = vector.load %arg2[%get3A_159, %get3A_160, %get3A_161] : memref<1x1x2000xi32, #tpu.memory_space<vmem>>, vector<1x1x2000xi32>
      %get3A_163 = vector.shape_cast %get3A_162 : vector<1x1x2000xi32> to vector<1x2000xi32>
      %iota3A_164 = tpu.iota {dimensions = array<i32: 0>} : vector<200x2000xi32>
      %eq3A_165 = vector.broadcast %get3A_163 : vector<1x2000xi32> to vector<200x2000xi32>
      %eq3A_166 = arith.cmpi eq, %iota3A_164, %eq3A_165 : vector<200x2000xi32>
      %convert_element_type3A_167 = arith.extui %eq3A_166 : vector<200x2000xi1> to vector<200x2000xi32>
      %convert_element_type3A_168 = arith.sitofp %convert_element_type3A_167 : vector<200x2000xi32> to vector<200x2000xf32>
      %eq3A_169 = arith.constant 0 : i32
      %eq3A_170 = arith.cmpi eq, %select_n3A_28, %eq3A_169 : i32
      %convert_element_type3A_171 = arith.extui %eq3A_170 : i1 to i32
      %cond3A_172 = arith.constant 0 : i32
      %cond3A_173 = arith.cmpi ne, %convert_element_type3A_171, %cond3A_172 : i32
      scf.if %cond3A_173 {
        %broadcast_in_dim3A = arith.constant 0.000000e+00 : f32
        %broadcast_in_dim3A_193 = vector.broadcast %broadcast_in_dim3A : f32 to vector<200x128xf32>
        %swap3A_194 = arith.constant 0 : index
        %swap3A_195 = arith.constant 0 : index
        %swap3A_196 = vector.load %arg23[%swap3A_194, %swap3A_195] : memref<200x128xf32, #tpu.memory_space<vmem>>, vector<200x128xf32>
        tpu.vector_store %arg23[%swap3A_194, %swap3A_195], %broadcast_in_dim3A_193 {strides = array<i32>} : memref<200x128xf32, #tpu.memory_space<vmem>>, vector<200x128xf32>,
        %broadcast_in_dim3A_197 = arith.constant 0.000000e+00 : f32
        %broadcast_in_dim3A_198 = vector.broadcast %broadcast_in_dim3A_197 : f32 to vector<200x128xf32>
        %swap3A_199 = arith.constant 0 : index
        %swap3A_200 = arith.constant 0 : index
        %swap3A_201 = vector.load %arg24[%swap3A_199, %swap3A_200] : memref<200x128xf32, #tpu.memory_space<vmem>>, vector<200x128xf32>
        tpu.vector_store %arg24[%swap3A_199, %swap3A_200], %broadcast_in_dim3A_198 {strides = array<i32>} : memref<200x128xf32, #tpu.memory_space<vmem>>, vector<200x128xf32>,
      } else {
      }
      %get3A_174 = arith.constant 0 : index
      %get3A_175 = arith.constant 0 : index
      %get3A_176 = vector.load %arg23[%get3A_174, %get3A_175] : memref<200x128xf32, #tpu.memory_space<vmem>>, vector<200x128xf32>
      %dot_general3A_177 = arith.constant dense<0.000000e+00> : vector<200x128xf32>
      %dot_general3A_178 = tpu.matmul %convert_element_type3A_168, %add3A_153, %dot_general3A_177 {dimension_numbers = #tpu.dot_dimension_numbers<[1], [0], [0], [1], [0, 0, 1, 1], [], []>, transpose_lhs_hint = false} : vector<200x2000xf32>, vector<2000x128xf32>, vector<200x128xf32> -> vector<200x128xf32>
      %add3A_179 = arith.addf %get3A_176, %dot_general3A_178 : vector<200x128xf32>
      %swap3A_180 = arith.constant 0 : index
      %swap3A_181 = arith.constant 0 : index
      %swap3A_182 = vector.load %arg23[%swap3A_180, %swap3A_181] : memref<200x128xf32, #tpu.memory_space<vmem>>, vector<200x128xf32>
      tpu.vector_store %arg23[%swap3A_180, %swap3A_181], %add3A_179 {strides = array<i32>} : memref<200x128xf32, #tpu.memory_space<vmem>>, vector<200x128xf32>,
      %get3A_183 = arith.constant 0 : index
      %get3A_184 = arith.constant 0 : index
      %get3A_185 = vector.load %arg24[%get3A_183, %get3A_184] : memref<200x128xf32, #tpu.memory_space<vmem>>, vector<200x128xf32>
      %mul3A_186 = arith.mulf %add3A_153, %add3A_153 : vector<2000x128xf32>
      %dot_general3A_187 = arith.constant dense<0.000000e+00> : vector<200x128xf32>
      %dot_general3A_188 = tpu.matmul %convert_element_type3A_168, %mul3A_186, %dot_general3A_187 {dimension_numbers = #tpu.dot_dimension_numbers<[1], [0], [0], [1], [0, 0, 1, 1], [], []>, transpose_lhs_hint = false} : vector<200x2000xf32>, vector<2000x128xf32>, vector<200x128xf32> -> vector<200x128xf32>
      %add3A_189 = arith.addf %get3A_185, %dot_general3A_188 : vector<200x128xf32>
      %swap3A_190 = arith.constant 0 : index
      %swap3A_191 = arith.constant 0 : index
      %swap3A_192 = vector.load %arg24[%swap3A_190, %swap3A_191] : memref<200x128xf32, #tpu.memory_space<vmem>>, vector<200x128xf32>
      tpu.vector_store %arg24[%swap3A_190, %swap3A_191], %add3A_189 {strides = array<i32>} : memref<200x128xf32, #tpu.memory_space<vmem>>, vector<200x128xf32>,
    } else {
    }
    %eq3A_37 = arith.constant 2 : i32
    %eq3A_38 = arith.cmpi eq, %select_n3A, %eq3A_37 : i32
    %convert_element_type3A_39 = arith.extui %eq3A_38 : i1 to i32
    %cond3A_40 = arith.constant 0 : i32
    %cond3A_41 = arith.cmpi ne, %convert_element_type3A_39, %cond3A_40 : i32
    scf.if %cond3A_41 {
      %get3A = arith.index_cast %select_n3A_28 : i32 to index
      %get3A_47 = arith.constant 0 : index
      %get3A_48 = arith.constant 0 : index
      %get3A_49 = vector.load %arg19[%get3A, %get3A_47, %get3A_48] : memref<5x2000x128xf32, #tpu.memory_space<vmem>>, vector<1x2000x128xf32>
      %get3A_50 = vector.shape_cast %get3A_49 : vector<1x2000x128xf32> to vector<2000x128xf32>
      %get3A_51 = arith.constant 0 : index
      %get3A_52 = arith.constant 0 : index
      %get3A_53 = vector.load %arg14[%get3A_51, %get3A_52] : memref<1x128xf32, #tpu.memory_space<vmem>>, vector<1x128xf32>
      %get3A_54 = arith.constant 0 : index
      %get3A_55 = arith.constant 0 : index
      %get3A_56 = vector.load %arg23[%get3A_54, %get3A_55] : memref<200x128xf32, #tpu.memory_space<vmem>>, vector<200x128xf32>
      %get3A_57 = arith.constant 0 : index
      %get3A_58 = arith.constant 0 : index
      %get3A_59 = vector.load %arg24[%get3A_57, %get3A_58] : memref<200x128xf32, #tpu.memory_space<vmem>>, vector<200x128xf32>
      %get3A_60 = arith.constant 0 : index
      %get3A_61 = arith.constant 0 : index
      %get3A_62 = vector.load %arg22[%get3A_60, %get3A_61] : memref<200x128xf32, #tpu.memory_space<vmem>>, vector<200x128xf32>
      %max3A = arith.constant 1.000000e+00 : f32
      %max3A_63 = vector.broadcast %max3A : f32 to vector<200x128xf32>
      %max3A_64 = arith.maximumf %get3A_62, %max3A_63 : vector<200x128xf32>
      %div3A_65 = arith.divf %get3A_56, %max3A_64 : vector<200x128xf32>
      %div3A_66 = arith.divf %get3A_59, %max3A_64 : vector<200x128xf32>
      %mul3A = arith.constant 2.000000e+00 : f32
      %mul3A_67 = vector.broadcast %mul3A : f32 to vector<1x128xf32>
      %mul3A_68 = arith.mulf %mul3A_67, %get3A_53 : vector<1x128xf32>
      %mul3A_69 = arith.mulf %get3A_53, %get3A_53 : vector<1x128xf32>
      %sub3A_70 = arith.subf %mul3A_68, %mul3A_69 : vector<1x128xf32>
      %mul3A_71 = vector.broadcast %sub3A_70 : vector<1x128xf32> to vector<200x128xf32>
      %mul3A_72 = arith.mulf %mul3A_71, %div3A_65 : vector<200x128xf32>
      %mul3A_73 = arith.mulf %mul3A_72, %div3A_65 : vector<200x128xf32>
      %sub3A_74 = arith.subf %div3A_66, %mul3A_73 : vector<200x128xf32>
      %add3A_75 = arith.constant 9.99999997E-7 : f32
      %add3A_76 = vector.broadcast %add3A_75 : f32 to vector<200x128xf32>
      %add3A_77 = arith.addf %sub3A_74, %add3A_76 : vector<200x128xf32>
      %rsqrt3A = math.rsqrt %add3A_77 : vector<200x128xf32>
      %concatenate3A = tpu.concatenate %div3A_65, %rsqrt3A in 1 : vector<200x128xf32>, vector<200x128xf32> -> vector<200x256xf32>
      %get3A_78 = arith.constant 0 : index
      %get3A_79 = arith.constant 0 : index
      %get3A_80 = arith.constant 0 : index
      %get3A_81 = vector.load %arg3[%get3A_78, %get3A_79, %get3A_80] : memref<1x2000x1xi32, #tpu.memory_space<vmem>>, vector<1x2000x1xi32>
      %get3A_82 = vector.shape_cast %get3A_81 : vector<1x2000x1xi32> to vector<2000x1xi32>
      %iota3A = tpu.iota {dimensions = array<i32: 1>} : vector<2000x200xi32>
      %eq3A_83 = vector.broadcast %get3A_82 : vector<2000x1xi32> to vector<2000x200xi32>
      %eq3A_84 = arith.cmpi eq, %eq3A_83, %iota3A : vector<2000x200xi32>
      %convert_element_type3A_85 = arith.extui %eq3A_84 : vector<2000x200xi1> to vector<2000x200xi32>
      %convert_element_type3A_86 = arith.sitofp %convert_element_type3A_85 : vector<2000x200xi32> to vector<2000x200xf32>
      %dot_general3A = arith.constant dense<0.000000e+00> : vector<2000x256xf32>
      %dot_general3A_87 = tpu.matmul %convert_element_type3A_86, %concatenate3A, %dot_general3A {dimension_numbers = #tpu.dot_dimension_numbers<[1], [0], [0], [1], [0, 0, 1, 1], [], []>, transpose_lhs_hint = false} : vector<2000x200xf32>, vector<200x256xf32>, vector<2000x256xf32> -> vector<2000x256xf32>
      %swap3A = arith.constant 0 : index
      %swap3A_88 = arith.constant 0 : index
      %swap3A_89 = vector.load %arg15[%swap3A, %swap3A_88] : memref<2000x128xf32, #tpu.memory_space<vmem>>, vector<2000x128xf32>
      tpu.vector_store %arg15[%swap3A, %swap3A_88], %get3A_50 {strides = array<i32>} : memref<2000x128xf32, #tpu.memory_space<vmem>>, vector<2000x128xf32>,
      %get3A_90 = arith.constant 0 : index
      %get3A_91 = arith.constant 0 : index
      %get3A_92 = vector.load %arg12[%get3A_90, %get3A_91] : memref<1x128xf32, #tpu.memory_space<vmem>>, vector<1x128xf32>
      %slice3A = vector.extract_strided_slice %dot_general3A_87 {offsets = [0, 0], sizes = [2000, 128], strides = [1, 1]} : vector<2000x256xf32> to vector<2000x128xf32>
      %mul3A_93 = vector.broadcast %get3A_53 : vector<1x128xf32> to vector<2000x128xf32>
      %mul3A_94 = arith.mulf %mul3A_93, %slice3A : vector<2000x128xf32>
      %sub3A_95 = arith.subf %get3A_50, %mul3A_94 : vector<2000x128xf32>
      %mul3A_96 = vector.broadcast %get3A_92 : vector<1x128xf32> to vector<2000x128xf32>
      %mul3A_97 = arith.mulf %mul3A_96, %sub3A_95 : vector<2000x128xf32>
      %slice3A_98 = vector.extract_strided_slice %dot_general3A_87 {offsets = [0, 128], sizes = [2000, 128], strides = [1, 1]} : vector<2000x256xf32> to vector<2000x128xf32>
      %mul3A_99 = arith.mulf %mul3A_97, %slice3A_98 : vector<2000x128xf32>
      %get3A_100 = arith.constant 0 : index
      %get3A_101 = arith.constant 0 : index
      %get3A_102 = vector.load %arg13[%get3A_100, %get3A_101] : memref<1x128xf32, #tpu.memory_space<vmem>>, vector<1x128xf32>
      %add3A_103 = vector.broadcast %get3A_102 : vector<1x128xf32> to vector<2000x128xf32>
      %add3A_104 = arith.addf %mul3A_99, %add3A_103 : vector<2000x128xf32>
      %swap3A_105 = arith.constant 0 : index
      %swap3A_106 = arith.constant 0 : index
      %swap3A_107 = vector.load %arg16[%swap3A_105, %swap3A_106] : memref<2000x128xf32, #tpu.memory_space<vmem>>, vector<2000x128xf32>
      tpu.vector_store %arg16[%swap3A_105, %swap3A_106], %add3A_104 {strides = array<i32>} : memref<2000x128xf32, #tpu.memory_space<vmem>>, vector<2000x128xf32>,
    } else {
    }
    %eq3A_42 = arith.constant 14 : i32
    %eq3A_43 = arith.cmpi eq, %arg0, %eq3A_42 : i32
    %convert_element_type3A_44 = arith.extui %eq3A_43 : i1 to i32
    %cond3A_45 = arith.constant 0 : i32
    %cond3A_46 = arith.cmpi ne, %convert_element_type3A_44, %cond3A_45 : i32
    scf.if %cond3A_46 {
      %get3A = arith.constant 0 : index
      %get3A_47 = arith.constant 0 : index
      %get3A_48 = vector.load %arg23[%get3A, %get3A_47] : memref<200x128xf32, #tpu.memory_space<vmem>>, vector<200x128xf32>
      %swap3A = arith.constant 0 : index
      %swap3A_49 = arith.constant 0 : index
      %swap3A_50 = vector.load %arg17[%swap3A, %swap3A_49] : memref<200x128xf32, #tpu.memory_space<vmem>>, vector<200x128xf32>
      tpu.vector_store %arg17[%swap3A, %swap3A_49], %get3A_48 {strides = array<i32>} : memref<200x128xf32, #tpu.memory_space<vmem>>, vector<200x128xf32>,
      %get3A_51 = arith.constant 0 : index
      %get3A_52 = arith.constant 0 : index
      %get3A_53 = vector.load %arg22[%get3A_51, %get3A_52] : memref<200x128xf32, #tpu.memory_space<vmem>>, vector<200x128xf32>
      %swap3A_54 = arith.constant 0 : index
      %swap3A_55 = arith.constant 0 : index
      %swap3A_56 = vector.load %arg18[%swap3A_54, %swap3A_55] : memref<200x128xf32, #tpu.memory_space<vmem>>, vector<200x128xf32>
      tpu.vector_store %arg18[%swap3A_54, %swap3A_55], %get3A_53 {strides = array<i32>} : memref<200x128xf32, #tpu.memory_space<vmem>>, vector<200x128xf32>,
    } else {
    }
    return
  }
  func.func @transform_0(%arg0: i32) -> (i32, i32) {
    %jit3A = arith.constant 5 : i32
    %eq3A = arith.constant 0 : i32
    %eq3A_0 = arith.cmpi eq, %jit3A, %eq3A : i32
    %jit3A_1 = arith.constant 1 : i32
    %select_n3A = arith.select %eq3A_0, %jit3A_1, %jit3A : i32
    %rem3A = arith.remsi %arg0, %select_n3A : i32
    %ne3A = arith.constant 0 : i32
    %ne3A_2 = arith.cmpi ne, %rem3A, %ne3A : i32
    %lt3A = arith.constant 0 : i32
    %lt3A_3 = arith.cmpi slt, %rem3A, %lt3A : i32
    %lt3A_4 = arith.constant 0 : i32
    %lt3A_5 = arith.cmpi slt, %select_n3A, %lt3A_4 : i32
    %ne3A_6 = arith.xori %lt3A_3, %lt3A_5 : i1
    %and3A = arith.andi %ne3A_6, %ne3A_2 : i1
    %add3A = arith.addi %rem3A, %select_n3A : i32
    %select_n3A_7 = arith.select %and3A, %add3A, %rem3A : i32
    %c0_i32 = arith.constant 0 : i32
    %c0_i32_8 = arith.constant 0 : i32
    return %select_n3A_7, %c0_i32 : i32, i32
  }
  func.func @transform_1(%arg0: i32) -> (i32, i32, i32) {
    %jit3A = arith.constant 5 : i32
    %eq3A = arith.constant 0 : i32
    %eq3A_0 = arith.cmpi eq, %jit3A, %eq3A : i32
    %jit3A_1 = arith.constant 1 : i32
    %select_n3A = arith.select %eq3A_0, %jit3A_1, %jit3A : i32
    %rem3A = arith.remsi %arg0, %select_n3A : i32
    %ne3A = arith.constant 0 : i32
    %ne3A_2 = arith.cmpi ne, %rem3A, %ne3A : i32
    %lt3A = arith.constant 0 : i32
    %lt3A_3 = arith.cmpi slt, %rem3A, %lt3A : i32
    %lt3A_4 = arith.constant 0 : i32
    %lt3A_5 = arith.cmpi slt, %select_n3A, %lt3A_4 : i32
    %ne3A_6 = arith.xori %lt3A_3, %lt3A_5 : i1
    %and3A = arith.andi %ne3A_6, %ne3A_2 : i1
    %add3A = arith.addi %rem3A, %select_n3A : i32
    %select_n3A_7 = arith.select %and3A, %add3A, %rem3A : i32
    %c0_i32 = arith.constant 0 : i32
    %c0_i32_8 = arith.constant 0 : i32
    %c0_i32_9 = arith.constant 0 : i32
    return %select_n3A_7, %c0_i32, %c0_i32_8 : i32, i32, i32
  }
  func.func @transform_2(%arg0: i32) -> (i32, i32, i32) {
    %jit3A = arith.constant 5 : i32
    %eq3A = arith.constant 0 : i32
    %eq3A_0 = arith.cmpi eq, %jit3A, %eq3A : i32
    %jit3A_1 = arith.constant 1 : i32
    %select_n3A = arith.select %eq3A_0, %jit3A_1, %jit3A : i32
    %rem3A = arith.remsi %arg0, %select_n3A : i32
    %ne3A = arith.constant 0 : i32
    %ne3A_2 = arith.cmpi ne, %rem3A, %ne3A : i32
    %lt3A = arith.constant 0 : i32
    %lt3A_3 = arith.cmpi slt, %rem3A, %lt3A : i32
    %lt3A_4 = arith.constant 0 : i32
    %lt3A_5 = arith.cmpi slt, %select_n3A, %lt3A_4 : i32
    %ne3A_6 = arith.xori %lt3A_3, %lt3A_5 : i1
    %and3A = arith.andi %ne3A_6, %ne3A_2 : i1
    %add3A = arith.addi %rem3A, %select_n3A : i32
    %select_n3A_7 = arith.select %and3A, %add3A, %rem3A : i32
    %c0_i32 = arith.constant 0 : i32
    %c0_i32_8 = arith.constant 0 : i32
    %c0_i32_9 = arith.constant 0 : i32
    return %select_n3A_7, %c0_i32, %c0_i32_8 : i32, i32, i32
  }
  func.func @transform_3(%arg0: i32) -> (i32, i32) {
    %c0_i32 = arith.constant 0 : i32
    %c0_i32_0 = arith.constant 0 : i32
    %c0_i32_1 = arith.constant 0 : i32
    return %c0_i32, %c0_i32_0 : i32, i32
  }
  func.func @transform_4(%arg0: i32) -> (i32, i32) {
    %c0_i32 = arith.constant 0 : i32
    %c0_i32_0 = arith.constant 0 : i32
    %c0_i32_1 = arith.constant 0 : i32
    return %c0_i32, %c0_i32_0 : i32, i32
  }
  func.func @transform_5(%arg0: i32) -> (i32, i32) {
    %c0_i32 = arith.constant 0 : i32
    %c0_i32_0 = arith.constant 0 : i32
    %c0_i32_1 = arith.constant 0 : i32
    return %c0_i32, %c0_i32_0 : i32, i32
  }
  func.func @transform_6(%arg0: i32) -> (i32, i32) {
    %c0_i32 = arith.constant 0 : i32
    %c0_i32_0 = arith.constant 0 : i32
    %c0_i32_1 = arith.constant 0 : i32
    return %c0_i32, %c0_i32_0 : i32, i32
  }
  func.func @transform_7(%arg0: i32) -> (i32, i32) {
    %c0_i32 = arith.constant 0 : i32
    %c0_i32_0 = arith.constant 0 : i32
    %c0_i32_1 = arith.constant 0 : i32
    return %c0_i32, %c0_i32_0 : i32, i32
  }
  func.func @transform_8(%arg0: i32) -> (i32, i32) {
    %c0_i32 = arith.constant 0 : i32
    %c0_i32_0 = arith.constant 0 : i32
    %c0_i32_1 = arith.constant 0 : i32
    return %c0_i32, %c0_i32_0 : i32, i32
  }
  func.func @transform_9(%arg0: i32) -> (i32, i32) {
    %c0_i32 = arith.constant 0 : i32
    %c0_i32_0 = arith.constant 0 : i32
    %c0_i32_1 = arith.constant 0 : i32
    return %c0_i32, %c0_i32_0 : i32, i32
  }
  func.func @transform_10(%arg0: i32) -> (i32, i32) {
    %c0_i32 = arith.constant 0 : i32
    %c0_i32_0 = arith.constant 0 : i32
    %c0_i32_1 = arith.constant 0 : i32
    return %c0_i32, %c0_i32_0 : i32, i32
  }
  func.func @transform_11(%arg0: i32) -> (i32, i32) {
    %c0_i32 = arith.constant 0 : i32
    %c0_i32_0 = arith.constant 0 : i32
    %c0_i32_1 = arith.constant 0 : i32
    return %c0_i32, %c0_i32_0 : i32, i32
  }
  func.func @transform_12(%arg0: i32) -> (i32, i32) {
    %c0_i32 = arith.constant 0 : i32
    %c0_i32_0 = arith.constant 0 : i32
    %c0_i32_1 = arith.constant 0 : i32
    return %c0_i32, %c0_i32_0 : i32, i32
  }
  func.func @transform_13(%arg0: i32) -> (i32, i32) {
    %c0_i32 = arith.constant 0 : i32
    %c0_i32_0 = arith.constant 0 : i32
    %c0_i32_1 = arith.constant 0 : i32
    return %c0_i32, %c0_i32_0 : i32, i32
  }
  func.func @transform_14(%arg0: i32) -> (i32, i32) {
    %sub3A = arith.constant 10 : i32
    %sub3A_0 = arith.subi %arg0, %sub3A : i32
    %max3A = arith.constant 0 : i32
    %max3A_1 = arith.maxsi %sub3A_0, %max3A : i32
    %c0_i32 = arith.constant 0 : i32
    %c0_i32_2 = arith.constant 0 : i32
    return %max3A_1, %c0_i32 : i32, i32
  }
  func.func @transform_15(%arg0: i32) -> (i32, i32) {
    %sub3A = arith.constant 10 : i32
    %sub3A_0 = arith.subi %arg0, %sub3A : i32
    %max3A = arith.constant 0 : i32
    %max3A_1 = arith.maxsi %sub3A_0, %max3A : i32
    %c0_i32 = arith.constant 0 : i32
    %c0_i32_2 = arith.constant 0 : i32
    return %max3A_1, %c0_i32 : i32, i32
  }
  func.func @transform_16(%arg0: i32) -> (i32, i32) {
    %c0_i32 = arith.constant 0 : i32
    %c0_i32_0 = arith.constant 0 : i32
    %c0_i32_1 = arith.constant 0 : i32
    return %c0_i32, %c0_i32_0 : i32, i32
  }
  func.func @transform_17(%arg0: i32) -> (i32, i32) {
    %c0_i32 = arith.constant 0 : i32
    %c0_i32_0 = arith.constant 0 : i32
    %c0_i32_1 = arith.constant 0 : i32
    return %c0_i32, %c0_i32_0 : i32, i32
  }
}

module attributes {stable_mosaic.version = 14 : i64} {
  func.func @_gin_body(%arg0: i32, %arg1: memref<2000x128xf32, #tpu.memory_space<vmem>>, %arg2: memref<1x2000x128xf32, #tpu.memory_space<vmem>>, %arg3: memref<1x2000x128xf32, #tpu.memory_space<vmem>>, %arg4: memref<2000x128xf32, #tpu.memory_space<vmem>>, %arg5: memref<1x1x2000xi32, #tpu.memory_space<vmem>>, %arg6: memref<128x128xf32, #tpu.memory_space<vmem>>, %arg7: memref<1x128xf32, #tpu.memory_space<vmem>>, %arg8: memref<200x128xf32, #tpu.memory_space<vmem>>, %arg9: memref<200x128xf32, #tpu.memory_space<vmem>>, %arg10: memref<2000x128xf32, #tpu.memory_space<vmem>>, %arg11: memref<200x128xf32, #tpu.memory_space<vmem>>) attributes {dimension_semantics = [#tpu.dimension_semantics<arbitrary>], iteration_bounds = array<i64: 5>, scalar_prefetch = 0 : i64, scratch_operands = 0 : i64, tpu.core_type = #tpu.core_type<tc>, window_params = [{transform_indices = @transform_0, window_bounds = array<i64: 2000, 128>}, {transform_indices = @transform_1, window_bounds = array<i64: 1, 2000, 128>}, {transform_indices = @transform_2, window_bounds = array<i64: 1, 2000, 128>}, {transform_indices = @transform_3, window_bounds = array<i64: 2000, 128>}, {transform_indices = @transform_4, window_bounds = array<i64: 1, 1, 2000>}, {pipeline_mode = #tpu.pipeline_mode<synchronous>, transform_indices = @transform_5, window_bounds = array<i64: 128, 128>}, {pipeline_mode = #tpu.pipeline_mode<synchronous>, transform_indices = @transform_6, window_bounds = array<i64: 1, 128>}, {pipeline_mode = #tpu.pipeline_mode<synchronous>, transform_indices = @transform_7, window_bounds = array<i64: 200, 128>}, {pipeline_mode = #tpu.pipeline_mode<synchronous>, transform_indices = @transform_8, window_bounds = array<i64: 200, 128>}, {transform_indices = @transform_9, window_bounds = array<i64: 2000, 128>}, {pipeline_mode = #tpu.pipeline_mode<synchronous>, transform_indices = @transform_10, window_bounds = array<i64: 200, 128>}]} {
    %get3A = arith.constant 0 : index
    %get3A_0 = arith.constant 0 : index
    %get3A_1 = vector.load %arg1[%get3A, %get3A_0] : memref<2000x128xf32, #tpu.memory_space<vmem>>, vector<2000x128xf32>
    %get3A_2 = arith.constant 0 : index
    %get3A_3 = arith.constant 0 : index
    %get3A_4 = arith.constant 0 : index
    %get3A_5 = vector.load %arg2[%get3A_2, %get3A_3, %get3A_4] : memref<1x2000x128xf32, #tpu.memory_space<vmem>>, vector<1x2000x128xf32>
    %get3A_6 = vector.shape_cast %get3A_5 : vector<1x2000x128xf32> to vector<2000x128xf32>
    %add3A = arith.addf %get3A_1, %get3A_6 : vector<2000x128xf32>
    %get3A_7 = arith.constant 0 : index
    %get3A_8 = arith.constant 0 : index
    %get3A_9 = arith.constant 0 : index
    %get3A_10 = vector.load %arg3[%get3A_7, %get3A_8, %get3A_9] : memref<1x2000x128xf32, #tpu.memory_space<vmem>>, vector<1x2000x128xf32>
    %get3A_11 = vector.shape_cast %get3A_10 : vector<1x2000x128xf32> to vector<2000x128xf32>
    %add3A_12 = arith.addf %add3A, %get3A_11 : vector<2000x128xf32>
    %get3A_13 = arith.constant 0 : index
    %get3A_14 = arith.constant 0 : index
    %get3A_15 = vector.load %arg6[%get3A_13, %get3A_14] : memref<128x128xf32, #tpu.memory_space<vmem>>, vector<128x128xf32>
    %dot_general3A = arith.constant dense<0.000000e+00> : vector<2000x128xf32>
    %dot_general3A_16 = tpu.matmul %add3A_12, %get3A_15, %dot_general3A {dimension_numbers = #tpu.dot_dimension_numbers<[1], [0], [0], [1], [0, 0, 1, 1], [], []>, transpose_lhs_hint = false} : vector<2000x128xf32>, vector<128x128xf32>, vector<2000x128xf32> -> vector<2000x128xf32>
    %get3A_17 = arith.constant 0 : index
    %get3A_18 = arith.constant 0 : index
    %get3A_19 = vector.load %arg7[%get3A_17, %get3A_18] : memref<1x128xf32, #tpu.memory_space<vmem>>, vector<1x128xf32>
    %add3A_20 = vector.broadcast %get3A_19 : vector<1x128xf32> to vector<2000x128xf32>
    %add3A_21 = arith.addf %dot_general3A_16, %add3A_20 : vector<2000x128xf32>
    %max3A = arith.constant 0.000000e+00 : f32
    %max3A_22 = vector.broadcast %max3A : f32 to vector<2000x128xf32>
    %max3A_23 = arith.maximumf %add3A_21, %max3A_22 : vector<2000x128xf32>
    %get3A_24 = arith.constant 0 : index
    %get3A_25 = arith.constant 0 : index
    %get3A_26 = vector.load %arg4[%get3A_24, %get3A_25] : memref<2000x128xf32, #tpu.memory_space<vmem>>, vector<2000x128xf32>
    %add3A_27 = arith.addf %get3A_26, %max3A_23 : vector<2000x128xf32>
    %swap3A = arith.constant 0 : index
    %swap3A_28 = arith.constant 0 : index
    %swap3A_29 = vector.load %arg10[%swap3A, %swap3A_28] : memref<2000x128xf32, #tpu.memory_space<vmem>>, vector<2000x128xf32>
    tpu.vector_store %arg10[%swap3A, %swap3A_28], %add3A_27 {strides = array<i32>} : memref<2000x128xf32, #tpu.memory_space<vmem>>, vector<2000x128xf32>,
    %get3A_30 = arith.constant 0 : index
    %get3A_31 = arith.constant 0 : index
    %get3A_32 = arith.constant 0 : index
    %get3A_33 = vector.load %arg5[%get3A_30, %get3A_31, %get3A_32] : memref<1x1x2000xi32, #tpu.memory_space<vmem>>, vector<1x1x2000xi32>
    %get3A_34 = vector.shape_cast %get3A_33 : vector<1x1x2000xi32> to vector<1x2000xi32>
    %iota3A = tpu.iota {dimensions = array<i32: 0>} : vector<200x2000xi32>
    %eq3A = vector.broadcast %get3A_34 : vector<1x2000xi32> to vector<200x2000xi32>
    %eq3A_35 = arith.cmpi eq, %iota3A, %eq3A : vector<200x2000xi32>
    %convert_element_type3A = arith.extui %eq3A_35 : vector<200x2000xi1> to vector<200x2000xi32>
    %convert_element_type3A_36 = arith.sitofp %convert_element_type3A : vector<200x2000xi32> to vector<200x2000xf32>
    %eq3A_37 = arith.constant 0 : i32
    %eq3A_38 = arith.cmpi eq, %arg0, %eq3A_37 : i32
    %convert_element_type3A_39 = arith.extui %eq3A_38 : i1 to i32
    %cond3A = arith.constant 0 : i32
    %cond3A_40 = arith.cmpi ne, %convert_element_type3A_39, %cond3A : i32
    scf.if %cond3A_40 {
      %broadcast_in_dim3A = arith.constant 0.000000e+00 : f32
      %broadcast_in_dim3A_55 = vector.broadcast %broadcast_in_dim3A : f32 to vector<200x128xf32>
      %swap3A_56 = arith.constant 0 : index
      %swap3A_57 = arith.constant 0 : index
      %swap3A_58 = vector.load %arg11[%swap3A_56, %swap3A_57] : memref<200x128xf32, #tpu.memory_space<vmem>>, vector<200x128xf32>
      tpu.vector_store %arg11[%swap3A_56, %swap3A_57], %broadcast_in_dim3A_55 {strides = array<i32>} : memref<200x128xf32, #tpu.memory_space<vmem>>, vector<200x128xf32>,
    } else {
    }
    %get3A_41 = arith.constant 0 : index
    %get3A_42 = arith.constant 0 : index
    %get3A_43 = vector.load %arg11[%get3A_41, %get3A_42] : memref<200x128xf32, #tpu.memory_space<vmem>>, vector<200x128xf32>
    %dot_general3A_44 = arith.constant dense<0.000000e+00> : vector<200x128xf32>
    %dot_general3A_45 = tpu.matmul %convert_element_type3A_36, %max3A_23, %dot_general3A_44 {dimension_numbers = #tpu.dot_dimension_numbers<[1], [0], [0], [1], [0, 0, 1, 1], [], []>, transpose_lhs_hint = false} : vector<200x2000xf32>, vector<2000x128xf32>, vector<200x128xf32> -> vector<200x128xf32>
    %add3A_46 = arith.addf %get3A_43, %dot_general3A_45 : vector<200x128xf32>
    %swap3A_47 = arith.constant 0 : index
    %swap3A_48 = arith.constant 0 : index
    %swap3A_49 = vector.load %arg11[%swap3A_47, %swap3A_48] : memref<200x128xf32, #tpu.memory_space<vmem>>, vector<200x128xf32>
    tpu.vector_store %arg11[%swap3A_47, %swap3A_48], %add3A_46 {strides = array<i32>} : memref<200x128xf32, #tpu.memory_space<vmem>>, vector<200x128xf32>,
    %eq3A_50 = arith.constant 4 : i32
    %eq3A_51 = arith.cmpi eq, %arg0, %eq3A_50 : i32
    %convert_element_type3A_52 = arith.extui %eq3A_51 : i1 to i32
    %cond3A_53 = arith.constant 0 : i32
    %cond3A_54 = arith.cmpi ne, %convert_element_type3A_52, %cond3A_53 : i32
    scf.if %cond3A_54 {
      %get3A_55 = arith.constant 0 : index
      %get3A_56 = arith.constant 0 : index
      %get3A_57 = vector.load %arg9[%get3A_55, %get3A_56] : memref<200x128xf32, #tpu.memory_space<vmem>>, vector<200x128xf32>
      %max3A_58 = arith.constant 1.000000e+00 : f32
      %max3A_59 = vector.broadcast %max3A_58 : f32 to vector<200x128xf32>
      %max3A_60 = arith.maximumf %get3A_57, %max3A_59 : vector<200x128xf32>
      %get3A_61 = arith.constant 0 : index
      %get3A_62 = arith.constant 0 : index
      %get3A_63 = vector.load %arg11[%get3A_61, %get3A_62] : memref<200x128xf32, #tpu.memory_space<vmem>>, vector<200x128xf32>
      %get3A_64 = arith.constant 0 : index
      %get3A_65 = arith.constant 0 : index
      %get3A_66 = vector.load %arg8[%get3A_64, %get3A_65] : memref<200x128xf32, #tpu.memory_space<vmem>>, vector<200x128xf32>
      %add3A_67 = arith.addf %get3A_63, %get3A_66 : vector<200x128xf32>
      %div3A = arith.divf %add3A_67, %max3A_60 : vector<200x128xf32>
      %swap3A_68 = arith.constant 0 : index
      %swap3A_69 = arith.constant 0 : index
      %swap3A_70 = vector.load %arg11[%swap3A_68, %swap3A_69] : memref<200x128xf32, #tpu.memory_space<vmem>>, vector<200x128xf32>
      tpu.vector_store %arg11[%swap3A_68, %swap3A_69], %div3A {strides = array<i32>} : memref<200x128xf32, #tpu.memory_space<vmem>>, vector<200x128xf32>,
    } else {
    }
    return
  }
  func.func @transform_0(%arg0: i32) -> (i32, i32) {
    %c0_i32 = arith.constant 0 : i32
    %c0_i32_0 = arith.constant 0 : i32
    return %arg0, %c0_i32 : i32, i32
  }
  func.func @transform_1(%arg0: i32) -> (i32, i32, i32) {
    %c0_i32 = arith.constant 0 : i32
    %c0_i32_0 = arith.constant 0 : i32
    %c0_i32_1 = arith.constant 0 : i32
    return %c0_i32, %arg0, %c0_i32_0 : i32, i32, i32
  }
  func.func @transform_2(%arg0: i32) -> (i32, i32, i32) {
    %c1_i32 = arith.constant 1 : i32
    %c0_i32 = arith.constant 0 : i32
    %c0_i32_0 = arith.constant 0 : i32
    return %c1_i32, %arg0, %c0_i32 : i32, i32, i32
  }
  func.func @transform_3(%arg0: i32) -> (i32, i32) {
    %c0_i32 = arith.constant 0 : i32
    %c0_i32_0 = arith.constant 0 : i32
    return %arg0, %c0_i32 : i32, i32
  }
  func.func @transform_4(%arg0: i32) -> (i32, i32, i32) {
    %c0_i32 = arith.constant 0 : i32
    %c0_i32_0 = arith.constant 0 : i32
    %c0_i32_1 = arith.constant 0 : i32
    return %arg0, %c0_i32, %c0_i32_0 : i32, i32, i32
  }
  func.func @transform_5(%arg0: i32) -> (i32, i32) {
    %c0_i32 = arith.constant 0 : i32
    %c0_i32_0 = arith.constant 0 : i32
    %c0_i32_1 = arith.constant 0 : i32
    return %c0_i32, %c0_i32_0 : i32, i32
  }
  func.func @transform_6(%arg0: i32) -> (i32, i32) {
    %c0_i32 = arith.constant 0 : i32
    %c0_i32_0 = arith.constant 0 : i32
    %c0_i32_1 = arith.constant 0 : i32
    return %c0_i32, %c0_i32_0 : i32, i32
  }
  func.func @transform_7(%arg0: i32) -> (i32, i32) {
    %c0_i32 = arith.constant 0 : i32
    %c0_i32_0 = arith.constant 0 : i32
    %c0_i32_1 = arith.constant 0 : i32
    return %c0_i32, %c0_i32_0 : i32, i32
  }
  func.func @transform_8(%arg0: i32) -> (i32, i32) {
    %c0_i32 = arith.constant 0 : i32
    %c0_i32_0 = arith.constant 0 : i32
    %c0_i32_1 = arith.constant 0 : i32
    return %c0_i32, %c0_i32_0 : i32, i32
  }
  func.func @transform_9(%arg0: i32) -> (i32, i32) {
    %c0_i32 = arith.constant 0 : i32
    %c0_i32_0 = arith.constant 0 : i32
    return %arg0, %c0_i32 : i32, i32
  }
  func.func @transform_10(%arg0: i32) -> (i32, i32) {
    %c0_i32 = arith.constant 0 : i32
    %c0_i32_0 = arith.constant 0 : i32
    %c0_i32_1 = arith.constant 0 : i32
    return %c0_i32, %c0_i32_0 : i32, i32
  }
}

</mosaic_0001>

<sc_bundles>
// kernel: kernel.5.cloned.1.call-start
scs
__scs_entry_jumppad:
0x0: {  	(pc) =	sbr.rel $0x88, $3  }
0x1: {  	(tag) =	ssettag $0x0;
	lr =	simm.s32 $0x1  }
0x2: {  	[smem:$0x3F91] =	sst lr;
	_ =	strace $0xD0000000  }
0x3: {  	_ = 	snop  }
0x4: {  	_ = 	snop  }
0x5: {  	_ = 	snop  }
0x6: {  	_ = 	snop  }
0x7: {  	_ = 	snop  }
__scs_overlays_trampoline_lowered:
0x8: {  	[smem:$0x3FA0] =	sst s0  }
0x9: {  	[smem:$0x3FA1] =	sst s1  }
0xa: {  	[smem:$0x3FA2] =	sst s2  }
0xb: {  	[smem:$0x3FA3] =	sst s3  }
0xc: {  	[smem:$0x3FA4] =	sst s4  }
0xd: {  	[smem:$0x3FA5] =	sst s5  }
0xe: {  	[smem:$0x3FA6] =	sst s6  }
0xf: {  	[smem:$0x3FA7] =	sst s7  }
0x10: {  	[smem:$0x3FA8] =	sst s8  }
0x11: {  	[smem:$0x3FA9] =	sst s9;
	s0 =	simm.s32 @!p0 $0x0  }
0x12: {  	s1 =	sld [smem:$0x3F8F];
	s0 =	simm.s32 @p0 $0x1  }
0x13: {  	[smem:$0x3FAA] =	sst s0;
	s0 =	simm.s32 @!p1 $0x0  }
0x14: {  	s2 =	sld [smem:$0x3F8E];
	s0 =	simm.s32 @p1 $0x1  }
0x15: {  	[smem:$0x3FAB] =	sst s0;
	s0 =	simm.s32 @!p2 $0x0  }
0x16: {  	s3 =	sld [smem:$0x3FDB];
	s0 =	simm.s32 @p2 $0x1  }
0x17: {  	s4 =	simm.s32 $0x1BF5;
	[smem:$0x3FAD] =	sst s0  }
0x18: {  	s0 =	sld [smem:$0x3F90];
	_ =	swait.ge [sflag:s4], $0x0  }
0x19: {  	s7 =	sld [smem:$0x3F91]  }
0x1a: {  	s8 =	sadd.s32 $0xFFFFE003, lr  }
0x1b: {  	s9 =	sadd.s32 $0xFFFFFEF7, lr;
	s5 =	simm.s32 $0xFFFFFFFF;
	p2 =	slt.u32 s8, $0xFFFFF086  }
0x1c: {  	p1 =	slt.u32 s9, $0xF7A;
	s5 =	simm.s32 @!p2 $0x0  }
0x1d: {  	s5 =	simm.s32 @p1 $0x1;
	p0 =	seq.s32 s7, s2  }
0x1e: {  	s7 =	smul.u32 @!p0 $0xF7A, s2;
	p2 =	seq.s32 @!p0 s5, $0x0  }
0x1f: {  	s9 =	smul.u32 $0xF7A, s1;
	s8 =	simm.s32 @!p0 $0x1BF5;
	p2 =	por !p2, p0  }
0x20: {  	[sflag:s8] =	ssyncset.s32 @!p0 $0xFFFFF086;
	s6 =	sadd.s32 @!p0 s3, s7;
	s7 =	simm.s32 @!p0 $0x108  }
0x21: {  	s3 =	sadd.s32 s3, s9;
	s6 =	sadd.s32 @!p0 $0x88, s6;
	s7 =	simm.s32 @p2 $0x1082  }
0x22: {  	[simem:s7], [sflag:s8] =	dma.local @!p0 [hbm:s6], $0xF7A  }
0x23: {  	s9 =	sor.u32 $0xD0000000, s2;
	s6 =	simm.s32 $0x108;
	_ =	swait.ge @!p0 [sflag:s8], $0x0  }
0x24: {  	s3 =	sadd.s32 $0x88, s3;
	s6 =	simm.s32 @!p1 $0x1082;
	[sflag:s4] =	ssyncset.s32 $0xFFFFF086  }
0x25: {  	[simem:s6], [sflag:s4] =	dma.local [hbm:s3], $0xF7A  }
0x26: {  	[smem:$0x3F91] =	sst s1;
	(tag) =	ssettag s2;
	_ =	strace s9  }
0x27: {  	s1 =	sld [smem:$0x3FA1]  }
0x28: {  	s2 =	sld [smem:$0x3FA2]  }
0x29: {  	s4 =	sld [smem:$0x3FA4]  }
0x2a: {  	p0 =	seq.s32 s5, $0x0;
	s5 =	sld [smem:$0x3FA5]  }
0x2b: {  	s6 =	sld [smem:$0x3FA6]  }
0x2c: {  	s7 =	sld [smem:$0x3FA7]  }
0x2d: {  	s3 =	simm.s32 $0x108;
	s8 =	sld [smem:$0x3FA8]  }
0x2e: {  	s3 =	simm.s32 @!p0 $0x1082;
	s9 =	sld [smem:$0x3FA9]  }
0x2f: {  	lr =	sadd.s32 s0, s3;
	s0 =	sld [smem:$0x3FA0]  }
0x30: {  	s3 =	sld [smem:$0x3FA3]  }
0x31: {  	[smem:$0x3FAC] =	sst s10  }
0x32: {  	s10 =	sld [smem:$0x3FAA];
	_ =	sdelay $0x3  }
0x33: {  	p0 =	seq.s32 s10, $0x1;
	s10 =	sld [smem:$0x3FAC];
	_ =	sdelay $0x3  }
0x34: {  	[smem:$0x3FAC] =	sst s10  }
0x35: {  	s10 =	sld [smem:$0x3FAB];
	_ =	sdelay $0x3  }
0x36: {  	p1 =	seq.s32 s10, $0x1;
	s10 =	sld [smem:$0x3FAC];
	_ =	sdelay $0x3  }
0x37: {  	[smem:$0x3FAC] =	sst s10  }
0x38: {  	s10 =	sld [smem:$0x3FAD]  }
0x39: {  	_ = 	snop;
	(pc) =	sbr.ind lr, $3  }
0x3a: {  	_ = 	snop  }
0x3b: {  	_ = 	snop  }
0x3c: {  	p2 =	seq.s32 s10, $0x1;
	s10 =	sld [smem:$0x3FAC]  }
0x3d: {  	_ =	shalt  }
0x3e: {  	_ =	shalt  }
0x3f: {  	_ =	shalt  }
0x40: {  	_ =	shalt  }
0x41: {  	_ =	shalt  }
0x42: {  	_ =	shalt  }
0x43: {  	_ =	shalt  }
0x44: {  	_ =	shalt  }
0x45: {  	_ =	shalt  }
0x46: {  	_ =	shalt  }
0x47: {  	_ =	shalt  }
0x48: {  	_ =	shalt  }
0x49: {  	_ =	shalt  }
0x4a: {  	_ =	shalt  }
0x4b: {  	_ =	shalt  }
0x4c: {  	_ =	shalt  }
0x4d: {  	_ =	shalt  }
0x4e: {  	_ =	shalt  }
0x4f: {  	_ =	shalt  }
0x50: {  	_ =	shalt  }
0x51: {  	_ =	shalt  }
0x52: {  	_ =	shalt  }
0x53: {  	_ =	shalt  }
0x54: {  	_ =	shalt  }
0x55: {  	_ =	shalt  }
0x56: {  	_ =	shalt  }
0x57: {  	_ =	shalt  }
0x58: {  	_ =	shalt  }
0x59: {  	_ =	shalt  }
0x5a: {  	_ =	shalt  }
0x5b: {  	_ =	shalt  }
0x5c: {  	_ =	shalt  }
0x5d: {  	_ =	shalt  }
0x5e: {  	_ =	shalt  }
0x5f: {  	_ =	shalt  }
0x60: {  	_ =	shalt  }
0x61: {  	_ =	shalt  }
0x62: {  	_ =	shalt  }
0x63: {  	_ =	shalt  }
0x64: {  	_ =	shalt  }
0x65: {  	_ =	shalt  }
0x66: {  	_ =	shalt  }
0x67: {  	_ =	shalt  }
0x68: {  	_ =	shalt  }
0x69: {  	_ =	shalt  }
0x6a: {  	_ =	shalt  }
0x6b: {  	_ =	shalt  }
0x6c: {  	_ =	shalt  }
0x6d: {  	_ =	shalt  }
0x6e: {  	_ =	shalt  }
0x6f: {  	_ =	shalt  }
0x70: {  	_ =	shalt  }
0x71: {  	_ =	shalt  }
0x72: {  	_ =	shalt  }
0x73: {  	_ =	shalt  }
0x74: {  	_ =	shalt  }
0x75: {  	_ =	shalt  }
0x76: {  	_ =	shalt  }
0x77: {  	_ =	shalt  }
0x78: {  	_ =	shalt  }
0x79: {  	_ =	shalt  }
0x7a: {  	_ =	shalt  }
0x7b: {  	_ =	shalt  }
0x7c: {  	_ =	shalt  }
0x7d: {  	_ =	shalt  }
0x7e: {  	_ =	shalt  }
0x7f: {  	_ =	shalt  }
0x80: {  	_ =	shalt  }
0x81: {  	_ =	shalt  }
0x82: {  	_ =	shalt  }
0x83: {  	_ =	shalt  }
0x84: {  	_ =	shalt  }
0x85: {  	_ =	shalt  }
0x86: {  	_ =	shalt  }
0x87: {  	_ =	shalt  }
.Lfunc_end0:
.L_simem_size_0:
called_computation_lowered:
.L_overlay_start_0:
0x88: {  	s2 =	sld [smem:$0x3FD9]  }
0x89: {  	s3 =	sld [smem:$0x3FFE];
	_ =	sdelay $0x1  }
0x8a: {  	s1 =	srdreg.scid  }
0x8b: {  	s0 =	sand.u32 $0x1, s1  }
0x8c: {  	s14 =	sshll.u32 s0, $0xA;
	s2 =	sadd.s32 s3, s2  }
0x8d: {  	s2 =	sadd.s32 s2, s14  }
0x8e: {  	[smem:$0x3FB8] =	sst s2  }
0x8f: {  	_ = 	snop  }
0x90: {  	s2 =	sld [smem:$0x3FD0];
	_ =	sdelay $0x2  }
0x91: {  	s15 =	simm.s32 $0xA;
	s4 =	simm.s32 $0x10  }
0x92: {  	[smem:s4], [sflag:s15] =	dma.local [hbm:s2], $0x1  }
0x93: {  	_ =	swait.eq [sflag:s15], $0x1  }
0x94: {  	[sflag:s15] =	ssyncset.done $0x0  }
0x95: {  	[sflag:s15] =	ssyncadd.s32 $0xFFFFFFFF  }
0x96: {  	s16 =	sld [smem:$0x11];
	(tm) =	ssettm $0x1  }
0x97: {  	s17 =	sld [smem:$0x3FFB];
	_ =	sdelay $0x3  }
0x98: {  	_ =	strace s17  }
0x99: {  	s3 =	sld [smem:$0x3FFC];
	_ =	sdelay $0x3  }
0x9a: {  	_ =	strace s3  }
0x9b: {  	s3 =	sld [smem:$0x3FFD];
	_ =	sdelay $0x3  }
0x9c: {  	_ =	strace s3  }
0x9d: {  	_ =	strace $0x8FFFFFFF  }
0x9e: {  	s18 =	sld [smem:$0x3FDB];
	_ =	sdelay $0x1  }
0x9f: {  	s19 =	simm.s32 $_scs_section_size  }
0xa0: {  	s5 =	simm.s32 $_size__tile_overlayer_lowered;
	s6 =	simm.s32 $_tile_overlayer_lowered  }
0xa1: {  	s22 =	simm.s32 $0x1BFF;
	s21 =	sshll.u32 s6, $0x1;
	s3 =	sadd.s32 s19, s18  }
0xa2: {  	s7 =	simm.s32 $0x0;
	s20 =	sshll.u32 s5, $0x1;
	s5 =	sadd.s32 s21, s3  }
0xa3: {  	[timem:s7], [sflag:s22] =	dma.local [hbm:s5], s20  }
0xa4: {  	_ =	swait.ge [sflag:s22], s20  }
0xa5: {  	s4 =	ssub.s32 $0x0, s20;
	[sflag:s22] =	ssyncset.done $0x0  }
0xa6: {  	[sflag:s22] =	ssyncadd.s32 s4;
	_ =	sdelay $0x1  }
0xa7: {  	s23 =	simm.s32 $0x1B8B  }
0xa8: {  	_ =	swait.ge [sflag:s23], $0x1  }
0xa9: {  	[sflag:s23] =	ssyncset.done $0x0  }
0xaa: {  	s25 =	simm.s32 $0x1B8E;
	s24 =	sld [smem:$0x3FFE];
	[sflag:s23] =	ssyncadd.s32 $0xFFFFFFFF  }
0xab: {  	s26 =	simm.s32 $execute0_lowered;
	[smem:$0x3FD2] =	sst s25  }
0xac: {  	s5 =	sshll.u32 s26, $0x1;
	_ =	strace $0x80000046;
	[dreg:$0x1] =	wrdreg $0xFFFFFFFF  }
0xad: {  	s28 =	simm.s32 $_size_execute0_lowered;
	s3 =	sadd.s32 s3, s5;
	[dreg:$0x0] =	wrdreg $0x0  }
0xae: {  	s5 =	sshll.u32 s28, $0x1;
	[dreg:$0x2] =	wrdreg s3  }
0xaf: {  	[dreg:$0x3] =	wrdreg s5  }
0xb0: {  	[dreg:$0x4] =	wrdreg $0xC0  }
0xb1: {  	_ =	task [dreg:s7], $0x5FFFF  }
0xb2: {  	[dreg:$0x1] =	wrdreg $0xFFFFFFFF  }
0xb3: {  	[dreg:$0x0] =	wrdreg $0x60  }
0xb4: {  	[dreg:$0x2] =	wrdreg s16  }
0xb5: {  	[dreg:$0x3] =	wrdreg s24  }
0xb6: {  	[dreg:$0x4] =	wrdreg $0x70000  }
0xb7: {  	[dreg:$0x5] =	wrdreg $0x9  }
0xb8: {  	_ =	task.clear_ibuf [dreg:s7], $0x6FFFF;
	_ =	strace $0x90000046  }
0xb9: {  	s29 =	simm.s32 $0x9;
	_ =	strace $0x80000048  }
0xba: {  	_ =	swait.ge [sflag:s29], $0x1  }
0xbb: {  	[sflag:s29] =	ssyncadd.s32 $0xFFFFFFFF  }
0xbc: {  	_ =	strace $0x90000048  }
0xbd: {  	_ =	sfence  }
0xbe: {  	s30 =	sld [smem:$0x0];
	_ =	sdelay $0x2  }
0xbf: {  	s31 =	sshll.u32 s1, $0xD;
	s1 =	sshrl.u32 s1, $0x2  }
0xc0: {  	s3 =	sand.u32 $0x4000, s31;
	s1 =	sadd.s32 s1, s30  }
0xc1: {  	s0 =	sor.u32 s3, s0;
	s1 =	sshll.u32 s1, $0x11  }
0xc2: {  	s0 =	sor.u32 s1, s0  }
0xc3: {  	s0 =	sadd.s32 $0x8F2B, s0  }
0xc4: {  	[sflag:s0] =	ssyncadd.remote.s32 $0x1  }
0xc5: {  	_ =	sfence.sel $0xFFFF  }
0xc6: {  	[dreg:$0x0] =	wrdreg $0xFFFFFFFF;
	(pc) =	sbr.abs _section_cstart, $3  }
0xc7: {  	[dreg:$0x1] =	wrdreg $0xFFFFFFFF  }
0xc8: {  	_ =	task.clear_ibuf [dreg:s7], $0x2FFFF;
	_ =	strace $0x9FFFFFFF  }
0xc9: {  	(tm) =	ssettm $0x7FFFFFFF  }
tec
execute0_lowered:
.L_overlay_start_1:
0x0: {  	(tag) =	ssettag $0x1  }
0x1: {  	s1 =	rddreg [dreg:$0x0]  }
0x2: {  	s0 =	rddreg [dreg:$0x1]  }
0x3: {  	s3 =	rddreg [dreg:$0x2];
	s4 =	simm.s32 $0x0  }
0x4: {  	s2 =	stileid.u32;
	s6 =	srdreg.scid;
	s16 =	simm.s32 $0x1000  }
0x5: {  	s17 =	simm.s32 $0x50;
	s18 =	simm.s32 $0x2000;
	s19 =	simm.s32 $0x80  }
0x6: {  	s20 =	simm.s32 $0x4800;
	s21 =	simm.s32 $0x3;
	s22 =	simm.s32 $0x2  }
0x7: {  	s23 =	simm.s32 $0x1;
	s24 =	simm.s32 $0x1C00;
	s25 =	simm.s32 $0x4  }
0x8: {  	[smem:$0x7FF] =	sst s4;
	s9 =	smul.u32 $0x13800, s2;
	s5 =	sadd.s32 $0x3200, s0  }
0x9: {  	s6 =	sand.u32 $0x1, s6;
	s10 =	smul.u32 $0x4E000, s2;
	s11 =	sadd.s32 $0x52400, s0  }
0xa: {  	s13 =	sshll.u32 s2, $0x1;
	s28 =	sshll.u32 s2, $0x6;
	s15 =	sadd.s32 $0x138000, s3  }
0xb: {  	p0 =	sne.s32 s2, $0xF;
	_ =	strace $0x80000047;
	s8 =	ssub.s32 $0x2, s6  }
0xc: {  	s13 =	sor.u32 s6, s13;
	s29 =	smul.u32 $0x138800, s6;
	s15 =	sshrl.u32 @!p0 s15, $0x3  }
0xd: {  	s7 =	sshrl.u32 s9, $0x3;
	s12 =	sshrl.u32 s8, $0x1;
	s26 =	sshrl.u32 s10, $0x2  }
0xe: {  	s7 =	sadd.s32 s7, s0;
	s12 =	ssub.s32 s8, s12;
	s14 =	sadd.s32 s26, s3  }
.Ltmp0:
0xf: {  	s8 =	sadd.s32 $0x52200, s0;
	s30 =	sadd.s32 s9, s29;
	(pc) =	sbr.rel .LBB2_1-.Ltmp0, $4  }
0x10: {  	s10 =	sshrl.u32 s29, $0x3;
	s9 =	smul.u32 $0x5000, s13;
	s26 =	simm.s32 $0x0  }
0x11: {  	s6 =	sadd.s32 $0x2B200, s7;
	s7 =	sor.u32 $0x1C05, s28;
	s0 =	sshrl.u32 s30, $0x3  }
0x12: {  	s31 =	sadd.s32 s11, s10;
	s12 =	smax.u32 s12, $0x1;
	s13 =	sshrl.u32 s14, $0x3  }
0x13: {  	s14 =	simm.s32 $0x5;
	s10 =	sadd.s32 s11, s0;
	s11 =	sadd.s32 $0x27000, s31  }
.LBB2_9:
0x14: {  	[bflag:$0x0] =	sbarrier.arrive $0xFFFF  }
0x15: {  	[hbm:s10], [sflag:s7] =	dma.local [spmem:s13], $0x2700  }
0x16: {  	s26 =	sadd.s32 $0x1, s26;
	_ =	swait.ge [sflag:s14], $0x2700  }
0x17: {  	p1 =	sne.s32 s26, s12;
	[sflag:s14] =	ssyncset.done $0x0  }
.Ltmp1:
0x18: {  	s0 =	simm.s32 @!p0 $0x5;
	[sflag:s14] =	ssyncadd.s32 $0xFFFFD900;
	(pc) =	sbr.rel @!p1 .LBB2_10-.Ltmp1, $4  }
0x19: {  	[hbm:s11], [sflag:s7] =	dma.local @!p0 [spmem:s15], $0x100  }
0x1a: {  	_ =	swait.ge @!p0 [sflag:s0], $0x100  }
0x1b: {  	[sflag:s0] =	ssyncset.done @!p0 $0x0  }
0x1c: {  	[sflag:s0] =	ssyncadd.s32 @!p0 $0xFFFFFF00  }
.LBB2_1:
0x1d: {  	[spmem:s13], [sflag:s7] =	dma.local [hbm:s6], $0x2700  }
0x1e: {  	_ =	swait.ge [sflag:s14], $0x2700  }
0x1f: {  	[sflag:s14] =	ssyncset.done $0x0  }
0x20: {  	s0 =	simm.s32 @!p0 $0x5;
	[sflag:s14] =	ssyncadd.s32 $0xFFFFD900  }
0x21: {  	[spmem:s15], [sflag:s7] =	dma.local @!p0 [hbm:s8], $0x100  }
.Ltmp2:
0x22: {  	_ =	swait.ge @!p0 [sflag:s0], $0x100;
	(pc) =	sbr.rel .LBB2_2-.Ltmp2, $4  }
0x23: {  	[sflag:s0] =	ssyncset.done @!p0 $0x0  }
0x24: {  	[sflag:s0] =	ssyncadd.s32 @!p0 $0xFFFFFF00  }
0x25: {  	[bflag:$0x0] =	sbarrier.arrive $0xFFFF  }
0x26: {  	s28 =	simm.s32 $0x0  }
.LBB2_8:
0x27: {  	_ =	swait.ge [sflag:s23], $0x2800  }
0x28: {  	[sflag:s23] =	ssyncset.done $0x0  }
0x29: {  	s28 =	sadd.s32 $0x1, s28;
	[sflag:s23] =	ssyncadd.s32 $0xFFFFD800  }
0x2a: {  	[spmem:s3] =	stream.indirect.scatter.add.f32 [tilespmem:s18], [sflag:$0x3], $0x80, s24, s17, $0xb8;
	[tilespmem:$0x1A8C0] =	vst v63  }
0x2b: {  	p1 =	sne.s32 s28, $0x5;
	_ =	swait.ge [sflag:s25], $0x2800  }
.Ltmp3:
0x2c: {  	[sflag:s25] =	ssyncset.done $0x0;
	(pc) =	sbr.rel @!p1 .LBB2_9-.Ltmp3, $4  }
0x2d: {  	[sflag:s25] =	ssyncadd.s32 $0xFFFFD800  }
0x2e: {  	_ =	swait.ge [sflag:s21], $0x2800  }
0x2f: {  	[sflag:s21] =	ssyncset.done $0x0  }
0x30: {  	[sflag:s21] =	ssyncadd.s32 $0xFFFFD800  }
.LBB2_2:
0x31: {  	s0 =	sshll.u32 s28, $0xC  }
0x32: {  	s0 =	sadd.s32 s9, s0  }
0x33: {  	s0 =	sshrl.u32 s0, $0x3  }
0x34: {  	s0 =	sadd.s32 s5, s0  }
0x35: {  	[tilespmem:s4], [sflag:$0x5] =	stream.linear.gather [hbm4b:s0+s4], $0xC80, $0x38;
	[tilespmem:$0x1A8C0] =	vst v63  }
0x36: {  	_ =	swait.ge [sflag:s14], $0xC80  }
0x37: {  	[sflag:s14] =	ssyncset.done $0x0  }
0x38: {  	s0 =	sadd.s32 $0x14000, s0;
	[sflag:s14] =	ssyncadd.s32 $0xFFFFF380  }
0x39: {  	[tilespmem:s16], [sflag:$0x5] =	stream.linear.gather [hbm4b:s0+s4], $0xC80, $0x38;
	[tilespmem:$0x1A8C0] =	vst v63  }
0x3a: {  	_ =	swait.ge [sflag:s14], $0xC80  }
0x3b: {  	[sflag:s14] =	ssyncset.done $0x0  }
0x3c: {  	[sflag:s14] =	ssyncadd.s32 $0xFFFFF380  }
0x3d: {  	[tilespmem:s18], [sflag:$0x1] =	stream.indirect.gather [hbm4b:s1+s17], $0x80, s4, s17, $0xb8;
	[tilespmem:$0x1A8C0] =	vst v63  }
0x3e: {  	_ = 	snop  }
0x3f: {  	[tilespmem:s20], [sflag:$0x2] =	stream.indirect.gather [hbm4b:s1+s17], $0x80, s19, s17, $0xb8;
	[tilespmem:$0x1A8C0] =	vst v63  }
.Ltmp4:
0x40: {  	s29 =	simm.s32 $0x1;
	(pc) =	sbr.rel .LBB2_3-.Ltmp4, $4  }
0x41: {  	_ =	swait.ge [sflag:s29], $0x2800  }
0x42: {  	[sflag:s29] =	ssyncset.done $0x0  }
0x43: {  	s30 =	simm.s32 $0x1080;
	s31 =	simm.s32 $0x100;
	[sflag:s29] =	ssyncadd.s32 $0xFFFFD800  }
0x44: {  	[spmem:s3] =	stream.indirect.scatter.add.f32 [tilespmem:s18], [sflag:$0x3], $0x80, s16, s17, $0xb8;
	[tilespmem:$0x1A8C0] =	vst v63  }
.LBB2_5:
0x45: {  	_ =	swait.ge [sflag:s21], $0x2800  }
0x46: {  	[sflag:s21] =	ssyncset.done $0x0  }
0x47: {  	[sflag:s21] =	ssyncadd.s32 $0xFFFFD800  }
0x48: {  	[tilespmem:s18], [sflag:$0x1] =	stream.indirect.gather [hbm4b:s1+s17], $0x80, s31, s17, $0xb8;
	[tilespmem:$0x1A8C0] =	vst v63  }
.LBB2_6:
0x49: {  	_ =	swait.ge [sflag:s22], $0x2800  }
0x4a: {  	[sflag:s22] =	ssyncset.done $0x0  }
0x4b: {  	[sflag:s22] =	ssyncadd.s32 $0xFFFFD800  }
0x4c: {  	[spmem:s3] =	stream.indirect.scatter.add.f32 [tilespmem:s20], [sflag:$0x4], $0x80, s30, s17, $0xb8;
	[tilespmem:$0x1A8C0] =	vst v63  }
.LBB2_7:
0x4d: {  	s29 =	sadd.s32 $0x1, s29  }
0x4e: {  	p1 =	sne.s32 s29, $0x18  }
.Ltmp5:
0x4f: {  	_ = 	snop;
	(pc) =	sbr.rel @!p1 .LBB2_8-.Ltmp5, $2  }
0x50: {  	_ =	sdelay $0x2  }
0x51: {  	s30 =	sadd.s32 $0x80, s30;
	s31 =	sadd.s32 $0x80, s31  }
.LBB2_3:
0x52: {  	s0 =	sand.u32 $0x1, s29  }
0x53: {  	p1 =	seq.s32 s0, $0x1  }
.Ltmp6:
0x54: {  	_ = 	snop;
	(pc) =	sbr.rel @p1 .LBB2_5-.Ltmp6, $1  }
0x55: {  	_ =	sdelay $0x3  }
0x56: {  	_ =	swait.ge [sflag:s25], $0x2800  }
0x57: {  	[sflag:s25] =	ssyncset.done $0x0  }
0x58: {  	p1 =	seq.s32 s0, $0x0;
	[sflag:s25] =	ssyncadd.s32 $0xFFFFD800  }
0x59: {  	[tilespmem:s20], [sflag:$0x2] =	stream.indirect.gather [hbm4b:s1+s17], $0x80, s31, s17, $0xb8;
	[tilespmem:$0x1A8C0] =	vst v63  }
.Ltmp7:
0x5a: {  	_ = 	snop;
	(pc) =	sbr.rel @p1 .LBB2_7-.Ltmp7, $4  }
.Ltmp8:
0x5b: {  	_ =	swait.ge [sflag:s23], $0x2800;
	(pc) =	sbr.rel @!p1 .LBB2_6-.Ltmp8, $4  }
0x5c: {  	[sflag:s23] =	ssyncset.done $0x0  }
0x5d: {  	[sflag:s23] =	ssyncadd.s32 $0xFFFFD800  }
0x5e: {  	[spmem:s3] =	stream.indirect.scatter.add.f32 [tilespmem:s18], [sflag:$0x3], $0x80, s30, s17, $0xb8;
	[tilespmem:$0x1A8C0] =	vst v63  }
0x5f: {  	_ = 	snop  }
.LBB2_10:
0x60: {  	_ =	sfence.sel $0x180000  }
0x61: {  	[bflag:$0x0] =	sbarrier.arrive $0xFFFF  }
0x62: {  	_ =	strace $0x90000047  }
0x63: {  	[bflag:$0x2] =	sbarrier.arrive $0xFFFF  }
0x64: {  	p0 =	sne.s32 s2, $0x0;
	s0 =	rddreg [dreg:$0x3]  }
0x65: {  	s0 =	sadd.s32 @!p0 $0x100000, s0  }
0x66: {  	[sflag:s0] =	ssyncadd.tile.s32 @!p0 $0x1;
	_ =	shalt  }
.Lfunc_end2:
_tile_overlayer_lowered:
.L_overlay_start_2:
0x67: {  	(tag) =	ssettag $0x2  }
0x68: {  	s0 =	rddreg [dreg:$0x0];
	s2 =	stileid.u32  }
0x69: {  	s1 =	rddreg [dreg:$0x1];
	p0 =	sne.s32 s2, $0x0  }
0x6a: {  	s3 =	rddreg [dreg:$0x2];
	[bflag:$0x3] =	sbarrier.arrive $0xFFFF;
	s2 =	simm.s32 @!p0 $0x1C05  }
0x6b: {  	[timem:s3], [sflag:s2] =	dma.local @!p0 [hbm:s0], s1  }
0x6c: {  	s0 =	simm.s32 @!p0 $0x5  }
0x6d: {  	_ =	swait.ge @!p0 [sflag:s0], s1  }
0x6e: {  	s1 =	ssub.s32 @!p0 $0x0, s1;
	[sflag:s0] =	ssyncset.done @!p0 $0x0  }
0x6f: {  	[sflag:s0] =	ssyncadd.s32 @!p0 s1  }
0x70: {  	[bflag:$0x3] =	sbarrier.arrive $0xFFFF  }
0x71: {  	_ =	shalt  }

</sc_bundles>
